<compile_context>
chip_gen: v7x
topology: tpu7x:2x2x1
jax: 0.10.2.dev20260603
libtpu: 0.0.44.dev20260713+nightly
codegen_flags: <defaults>
</compile_context>

<pallas_src>
import functools

import jax
import jax.numpy as jnp
from jax import lax
from jax.experimental import pallas as pl
from jax.experimental.pallas import tpu as pltpu
from jax.experimental.pallas import tpu_sc as plsc

_N = 20000
_PAD = 20480
_R = 160
_C = 128
_PRE = 2000
_POST = 1000
_TH = 0.7
_NEG = -1e30
_IMG_H = 1024.0
_IMG_W = 1024.0
_INT_MIN = -2147483648
_INT_MAX = 2147483647

_CH = _PAD // 16
_SLOTS = 2048
_TRASH = _SLOTS
_GROWS = _SLOTS + 16


def _prep_body(a0, a1, a2, a3, d0, d1, d2, d3, s,
               x1o, y1o, x2o, y2o, mso, poolo):
    A0, A1, A2, A3 = a0[...], a1[...], a2[...], a3[...]
    D0, D1, D2, D3 = d0[...], d1[...], d2[...], d3[...]
    S = s[...]

    ctr_x = (A0 + A2) / 2.0
    ctr_y = (A1 + A3) / 2.0
    w = A2 - A0
    h = A3 - A1
    x1 = jnp.minimum(jnp.maximum(ctr_x - D0 * w, 0.0), _IMG_W)
    y1 = jnp.minimum(jnp.maximum(ctr_y - D1 * h, 0.0), _IMG_H)
    x2 = jnp.minimum(jnp.maximum(ctr_x + D2 * w, 0.0), _IMG_W)
    y2 = jnp.minimum(jnp.maximum(ctr_y + D3 * h, 0.0), _IMG_H)

    row = lax.broadcasted_iota(jnp.int32, (_R, _C), 0)
    col = lax.broadcasted_iota(jnp.int32, (_R, _C), 1)
    idx = row * _C + col
    inb = idx < _N

    valid = (x2 - x1 > 0.0) & (y2 - y1 > 0.0) & inb
    ms = jnp.where(valid, S, _NEG)

    b = lax.bitcast_convert_type(ms, jnp.int32)
    key = jnp.where(b >= 0, b, _INT_MIN - b)

    def bs1(_, lohi):
        lo, hi = lohi
        mid = (lo >> 1) + (hi >> 1) + (lo & hi & 1)
        cnt = jnp.sum((inb & (key > mid)).astype(jnp.int32))
        go_hi = cnt < _PRE
        live = lo < hi
        new_lo = jnp.where(live & ~go_hi, mid + 1, lo)
        new_hi = jnp.where(live & go_hi, mid, hi)
        return new_lo, new_hi

    tau, _unused_hi = lax.fori_loop(
        0, 32, bs1, (jnp.int32(_INT_MIN), jnp.int32(_INT_MAX)))

    n_gt = jnp.sum((inb & (key > tau)).astype(jnp.int32))
    quota = _PRE - n_gt
    tie = inb & (key == tau)

    def bs2(_, lohi):
        lo, hi = lohi
        mid = (lo + hi) // 2
        cnt = jnp.sum((tie & (idx < mid)).astype(jnp.int32))
        go_hi = cnt >= quota
        live = lo < hi
        new_lo = jnp.where(live & ~go_hi, mid + 1, lo)
        new_hi = jnp.where(live & go_hi, mid, hi)
        return new_lo, new_hi

    mcut, _unused_hi2 = lax.fori_loop(0, 15, bs2, (jnp.int32(0), jnp.int32(_PAD)))

    pool = inb & ((key > tau) | (tie & (idx < mcut)))

    x1o[...] = x1
    y1o[...] = y1
    x2o[...] = x2
    y2o[...] = y2
    mso[...] = ms
    poolo[...] = pool.astype(jnp.int32)


_prep_call = pl.pallas_call(
    _prep_body,
    out_shape=[jax.ShapeDtypeStruct((_R, _C), jnp.float32)] * 5
    + [jax.ShapeDtypeStruct((_R, _C), jnp.int32)],
)


def _compact_body(x1h, y1h, x2h, y2h, msh, pmh, gout,
                  x1v, y1v, x2v, y2v, msv, pmv,
                  loc, idx2, cbuf, callv, counts_sh, sem):
    cid = lax.axis_index("c")
    t = lax.axis_index("s")

    @pl.when(cid == 0)
    def _work():
        off = t * _CH
        pltpu.sync_copy(x1h.at[pl.ds(off, _CH)], x1v)
        pltpu.sync_copy(y1h.at[pl.ds(off, _CH)], y1v)
        pltpu.sync_copy(x2h.at[pl.ds(off, _CH)], x2v)
        pltpu.sync_copy(y2h.at[pl.ds(off, _CH)], y2v)
        pltpu.sync_copy(msh.at[pl.ds(off, _CH)], msv)
        pltpu.sync_copy(pmh.at[pl.ds(off, _CH)], pmv)

        def cbody(i, acc):
            return acc + jnp.sum(pmv[pl.ds(i * 16, 16)])

        cnt = lax.fori_loop(0, _CH // 16, cbody, jnp.int32(0))

        cbuf[...] = jnp.broadcast_to(cnt, (16,))
        pltpu.sync_copy(cbuf, counts_sh.at[pl.ds(t * 16, 16)])
        plsc.subcore_barrier()
        pltpu.sync_copy(counts_sh, callv)

        def bbody(j, acc):
            v = callv[pl.ds(j * 16, 16)]
            return acc + jnp.where(j < t, v[0], 0)

        base = lax.fori_loop(0, 16, bbody, jnp.int32(0))

        lane = lax.iota(jnp.int32, 16)
        kcol = [jnp.full((16,), k, jnp.int32) for k in range(5)]

        def sbody(i, run):
            mi = pmv[pl.ds(i * 16, 16)]
            mb = mi > 0
            pc = plsc.cumsum(mi)
            gidx = jnp.where(mb, run + pc - 1, _TRASH + t)
            j = i * 16 + lane
            plsc.store_scatter(idx2, [j >> 7, j & 127], gidx)
            vals = (x1v, y1v, x2v, y2v, msv)
            for k in range(5):
                plsc.store_scatter(loc, [j, kcol[k]], vals[k][pl.ds(i * 16, 16)])
            return run + jnp.max(pc)

        lax.fori_loop(0, _CH // 16, sbody, base)

        for c in range(_CH // 128):
            pltpu.async_copy(loc.at[pl.ds(c * 128, 128)],
                             gout.at[idx2.at[c]], sem).wait()


@functools.cache
def _get_compact_call():
    return functools.partial(
        pl.kernel,
        mesh=plsc.VectorSubcoreMesh(core_axis_name="c", subcore_axis_name="s"),
        out_type=jax.ShapeDtypeStruct((_GROWS, 16), jnp.float32),
        compiler_params=pltpu.CompilerParams(
            needs_layout_passes=False, use_tc_tiling_on_sc=False),
            scratch_types=[
            pltpu.VMEM((_CH,), jnp.float32),
            pltpu.VMEM((_CH,), jnp.float32),
            pltpu.VMEM((_CH,), jnp.float32),
            pltpu.VMEM((_CH,), jnp.float32),
            pltpu.VMEM((_CH,), jnp.float32),
            pltpu.VMEM((_CH,), jnp.int32),
            pltpu.VMEM((_CH, 16), jnp.float32),
            pltpu.VMEM((_CH // 128, 128), jnp.int32),
            pltpu.VMEM((16,), jnp.int32),
            pltpu.VMEM((256,), jnp.int32),
            pltpu.VMEM_SHARED((256,), jnp.int32),
            pltpu.SemaphoreType.DMA,
        ],
    )(_compact_body)


_NR = 16
_NL = _C
_OR = 8


def _nms_body(x1r, y1r, x2r, y2r, sr,
              x1b, y1b, x2b, y2b,
              ox1, oy1, ox2, oy2, osc,
              curr):
    row = lax.broadcasted_iota(jnp.int32, (_NR, _C), 0)
    col = lax.broadcasted_iota(jnp.int32, (_NR, _C), 1)
    idx = row * _C + col

    curr[...] = jnp.where(idx < _PRE, sr[...], _NEG)

    zero8 = jnp.zeros((_OR, _C), jnp.float32)
    ox1[...] = zero8
    oy1[...] = zero8
    ox2[...] = zero8
    oy2[...] = zero8
    osc[...] = zero8

    orow = lax.broadcasted_iota(jnp.int32, (_OR, _C), 0)
    ocol = lax.broadcasted_iota(jnp.int32, (_OR, _C), 1)
    oidx = orow * _C + ocol

    lane = lax.broadcasted_iota(jnp.int32, (1, _C), 1)

    X1 = x1r[...]
    Y1 = y1r[...]
    X2 = x2r[...]
    Y2 = y2r[...]
    AR = (X2 - X1) * (Y2 - Y1)

    def step(tt, carry):
        cur = curr[...]
        colmax = jnp.max(cur, axis=0, keepdims=True)
        m = jnp.max(colmax)
        rbest = jnp.min(jnp.where(cur == m, row, _NR), axis=0, keepdims=True)
        j = jnp.min(jnp.where(colmax == m, rbest * _C + lane, _SLOTS))

        bx1 = x1b[pl.ds(j, 1), :]
        by1 = y1b[pl.ds(j, 1), :]
        bx2 = x2b[pl.ds(j, 1), :]
        by2 = y2b[pl.ds(j, 1), :]

        ix1 = jnp.maximum(bx1, X1)
        iy1 = jnp.maximum(by1, Y1)
        ix2 = jnp.minimum(bx2, X2)
        iy2 = jnp.minimum(by2, Y2)
        inter = jnp.maximum(ix2 - ix1, 0.0) * jnp.maximum(iy2 - iy1, 0.0)
        area1 = (bx2 - bx1) * (by2 - by1)
        union = area1 + AR - inter
        iou = inter / jnp.maximum(union, 1e-6)
        supp = (iou >= _TH) | (idx == j)
        curr[...] = jnp.where(supp, _NEG, cur)

        ok = m > (_NEG / 2.0)
        hit = oidx == tt
        ox1[...] = jnp.where(hit, jnp.where(ok, bx1, 0.0), ox1[...])
        oy1[...] = jnp.where(hit, jnp.where(ok, by1, 0.0), oy1[...])
        ox2[...] = jnp.where(hit, jnp.where(ok, bx2, 0.0), ox2[...])
        oy2[...] = jnp.where(hit, jnp.where(ok, by2, 0.0), oy2[...])
        osc[...] = jnp.where(hit, jnp.where(ok, m, 0.0), osc[...])
        return carry

    lax.fori_loop(0, _POST, step, 0)


_nms_call = pl.pallas_call(
    _nms_body,
    out_shape=[jax.ShapeDtypeStruct((_OR, _C), jnp.float32)] * 5,
    scratch_shapes=[pltpu.VMEM((_NR, _C), jnp.float32)],
)


def kernel(anchors, pred_deltas, scores):
    pad = _PAD - _N

    def colf(x, i):
        return jnp.pad(x[:, i], (0, pad)).reshape(_R, _C)

    a = [colf(anchors, i) for i in range(4)]
    d = [colf(pred_deltas, i) for i in range(4)]
    s = jnp.pad(scores, (0, pad)).reshape(_R, _C)

    x1, y1, x2, y2, ms, pm = _prep_call(*a, *d, s)

    g = _get_compact_call()(x1.reshape(-1), y1.reshape(-1), x2.reshape(-1),
                            y2.reshape(-1), ms.reshape(-1), pm.reshape(-1))

    gr = g[:_SLOTS]
    planes = [gr[:, k].reshape(_NR, _NL) for k in range(5)]
    bplanes = [jnp.broadcast_to(gr[:, k][:, None], (_SLOTS, _C))
               for k in range(4)]

    outs = _nms_call(*planes, *bplanes)
    cols = [o.reshape(-1)[:_POST] for o in outs]
    return jnp.stack(cols, axis=1)

# --- scband reference (transcript-rebuilt; emitter-appended) ---
"""Pipeline reference for scband-olnrpn-47047071760588 (READ-ONLY COPY).

The authoritative reference and input builder live on the scoring server;
editing this copy changes nothing except your own understanding.
"""

import jax, jax.numpy as jnp
import numpy as np

N = 20000
PRE_NMS_TOPK = 2000
POST_NMS_TOPK = 1000
NMS_THRESH = 0.7
MIN_BOX_SIZE = 0.0
IMG_H = 1024.0
IMG_W = 1024.0
NEG_INF = -1e30


def setup_inputs(seed: int = 0):
    key = jax.random.key(seed)
    k1, k2, k3, k4, k5, k6 = jax.random.split(key, 6)
    cx = jax.random.uniform(k1, (N,)) * IMG_W
    cy = jax.random.uniform(k2, (N,)) * IMG_H
    w = jax.random.uniform(k3, (N,)) * 192.0 + 16.0
    h = jax.random.uniform(k4, (N,)) * 192.0 + 16.0
    anchors = jnp.stack([cx - w / 2, cy - h / 2, cx + w / 2, cy + h / 2], axis=1).astype(jnp.float32)
    pred_deltas = (jax.random.uniform(k5, (N, 4)) * 0.8 + 0.1).astype(jnp.float32)
    scores = jax.random.normal(k6, (N,), dtype=jnp.float32)
    return {"anchors": anchors, "pred_deltas": pred_deltas, "scores": scores}


def _apply_deltas_linear(deltas, anchors):
    # Box2BoxTransformLinear.apply_deltas (normalize_by_size=True):
    # deltas are (left, top, right, bottom) distances from anchor center,
    # normalized by anchor width/height.
    ctr_x = (anchors[:, 0] + anchors[:, 2]) / 2.0
    ctr_y = (anchors[:, 1] + anchors[:, 3]) / 2.0
    w = anchors[:, 2] - anchors[:, 0]
    h = anchors[:, 3] - anchors[:, 1]
    dl = deltas[:, 0] * w
    dt = deltas[:, 1] * h
    dr = deltas[:, 2] * w
    db = deltas[:, 3] * h
    x1 = ctr_x - dl
    y1 = ctr_y - dt
    x2 = ctr_x + dr
    y2 = ctr_y + db
    return jnp.stack([x1, y1, x2, y2], axis=1)


def _iou_one_vs_all(box, boxes):
    x1 = jnp.maximum(box[0], boxes[:, 0])
    y1 = jnp.maximum(box[1], boxes[:, 1])
    x2 = jnp.minimum(box[2], boxes[:, 2])
    y2 = jnp.minimum(box[3], boxes[:, 3])
    inter = jnp.clip(x2 - x1, 0.0, None) * jnp.clip(y2 - y1, 0.0, None)
    area1 = (box[2] - box[0]) * (box[3] - box[1])
    area2 = (boxes[:, 2] - boxes[:, 0]) * (boxes[:, 3] - boxes[:, 1])
    union = area1 + area2 - inter
    return inter / jnp.maximum(union, 1e-6)


def reference(anchors, pred_deltas, scores):
    # 1) decode proposals from anchors + predicted deltas (linear transform)
    boxes = _apply_deltas_linear(pred_deltas, anchors)
    # 2) clip to image bounds
    boxes = jnp.stack([
        jnp.clip(boxes[:, 0], 0.0, IMG_W),
        jnp.clip(boxes[:, 1], 0.0, IMG_H),
        jnp.clip(boxes[:, 2], 0.0, IMG_W),
        jnp.clip(boxes[:, 3], 0.0, IMG_H),
    ], axis=1)
    # 3) filter empty / tiny boxes by masking their scores
    bw = boxes[:, 2] - boxes[:, 0]
    bh = boxes[:, 3] - boxes[:, 1]
    valid = (bw > MIN_BOX_SIZE) & (bh > MIN_BOX_SIZE)
    masked_scores = jnp.where(valid, scores, NEG_INF)
    # 4) pre-NMS top-k
    top_scores, top_idx = jax.lax.top_k(masked_scores, PRE_NMS_TOPK)
    top_boxes = boxes[top_idx]

    # 5) greedy NMS for POST_NMS_TOPK rounds
    idx_range = jnp.arange(PRE_NMS_TOPK)

    def step(cur_scores, _):
        j = jnp.argmax(cur_scores)
        best = cur_scores[j]
        sel_valid = best > (NEG_INF / 2.0)
        ious = _iou_one_vs_all(top_boxes[j], top_boxes)
        suppress = (ious >= NMS_THRESH) | (idx_range == j)
        new_scores = jnp.where(suppress, NEG_INF, cur_scores)
        return new_scores, (j, sel_valid)

    _, (sel_idx, sel_valid) = jax.lax.scan(step, top_scores, None, length=POST_NMS_TOPK)

    kept_boxes = jnp.where(sel_valid[:, None], top_boxes[sel_idx], 0.0)
    kept_scores = jnp.where(sel_valid, top_scores[sel_idx], 0.0)
    return jnp.concatenate([kept_boxes, kept_scores[:, None]], axis=1)

if __name__ == "__main__":
    import jax
    _d = setup_inputs()
    print(jax.jit(kernel)(*tuple(_d.values())))

</pallas_src>

<mosaic_0001>
#map = affine_map<(d0, d1) -> (0)>
#map1 = affine_map<(d0, d1) -> (0, 0)>
module attributes {stable_mosaic.version = 14 : i64} {
  func.func @_compact_body(%arg0: i32, %arg1: i32, %arg2: memref<20480xf32, #tpu.memory_space<hbm>>, %arg3: memref<20480xf32, #tpu.memory_space<hbm>>, %arg4: memref<20480xf32, #tpu.memory_space<hbm>>, %arg5: memref<20480xf32, #tpu.memory_space<hbm>>, %arg6: memref<20480xf32, #tpu.memory_space<hbm>>, %arg7: memref<20480xi32, #tpu.memory_space<hbm>>, %arg8: memref<2064x16xf32, #tpu.memory_space<hbm>>, %arg9: memref<1280xf32, #tpu.memory_space<vmem>>, %arg10: memref<1280xf32, #tpu.memory_space<vmem>>, %arg11: memref<1280xf32, #tpu.memory_space<vmem>>, %arg12: memref<1280xf32, #tpu.memory_space<vmem>>, %arg13: memref<1280xf32, #tpu.memory_space<vmem>>, %arg14: memref<1280xi32, #tpu.memory_space<vmem>>, %arg15: memref<1280x16xf32, #tpu.memory_space<vmem>>, %arg16: memref<10x128xi32, #tpu.memory_space<vmem>>, %arg17: memref<16xi32, #tpu.memory_space<vmem>>, %arg18: memref<256xi32, #tpu.memory_space<vmem>>, %arg19: memref<256xi32, #tpu.memory_space<vmem_shared>>, %arg20: memref<!tpu.dma_semaphore, #tpu.memory_space<semaphore_mem>>) attributes {dimension_semantics = [#tpu.dimension_semantics<core_parallel>, #tpu.dimension_semantics<subcore_parallel>], iteration_bounds = array<i64: 2, 16>, scalar_prefetch = 0 : i64, scratch_operands = 12 : i64, tpu.core_type = #tpu.core_type<sc_vector_subcore>, window_params = [{transform_indices = #map}, {transform_indices = #map}, {transform_indices = #map}, {transform_indices = #map}, {transform_indices = #map}, {transform_indices = #map}, {transform_indices = #map1}]} {
    %eq3A = arith.constant 0 : i32
    %eq3A_0 = arith.cmpi eq, %arg0, %eq3A : i32
    %convert_element_type3A = arith.extui %eq3A_0 : i1 to i32
    %cond3A = arith.constant 0 : i32
    %cond3A_1 = arith.cmpi ne, %convert_element_type3A, %cond3A : i32
    scf.if %cond3A_1 {
      %mul3A = arith.constant 1280 : i32
      %mul3A_2 = arith.muli %arg1, %mul3A : i32
      "tpu.region"() ({
        %run_scoped3A = tpu.sem_alloc : memref<!tpu.dma_semaphore, #tpu.memory_space<semaphore_mem>>
        %dma_start3A_233 = tpu.memref_slice %arg2[%mul3A_2] : memref<20480xf32, #tpu.memory_space<hbm>> -> memref<1280xf32, #tpu.memory_space<hbm>>
        %dma_start3A_234 = tpu.memref_slice %arg2[%mul3A_2] : memref<20480xf32, #tpu.memory_space<hbm>> -> memref<1280xf32, #tpu.memory_space<hbm>>
        tpu.enqueue_dma source(%dma_start3A_234 : memref<1280xf32, #tpu.memory_space<hbm>>) target(%arg9 : memref<1280xf32, #tpu.memory_space<vmem>>) target_semaphore(%run_scoped3A : memref<!tpu.dma_semaphore, #tpu.memory_space<semaphore_mem>>)
        %dma_wait3A_235 = tpu.memref_slice %arg2[%mul3A_2] : memref<20480xf32, #tpu.memory_space<hbm>> -> memref<1280xf32, #tpu.memory_space<hbm>>
        %dma_wait3A_236 = tpu.memref_slice %arg2[%mul3A_2] : memref<20480xf32, #tpu.memory_space<hbm>> -> memref<1280xf32, #tpu.memory_space<hbm>>
        tpu.wait_dma2 semaphore(%run_scoped3A : memref<!tpu.dma_semaphore, #tpu.memory_space<semaphore_mem>>) src(%dma_wait3A_236 : memref<1280xf32, #tpu.memory_space<hbm>>) dst(%arg9 : memref<1280xf32, #tpu.memory_space<vmem>>)
        tpu.yield
      }) : () -> ()
      "tpu.region"() ({
        %run_scoped3A = tpu.sem_alloc : memref<!tpu.dma_semaphore, #tpu.memory_space<semaphore_mem>>
        %dma_start3A_233 = tpu.memref_slice %arg3[%mul3A_2] : memref<20480xf32, #tpu.memory_space<hbm>> -> memref<1280xf32, #tpu.memory_space<hbm>>
        %dma_start3A_234 = tpu.memref_slice %arg3[%mul3A_2] : memref<20480xf32, #tpu.memory_space<hbm>> -> memref<1280xf32, #tpu.memory_space<hbm>>
        tpu.enqueue_dma source(%dma_start3A_234 : memref<1280xf32, #tpu.memory_space<hbm>>) target(%arg10 : memref<1280xf32, #tpu.memory_space<vmem>>) target_semaphore(%run_scoped3A : memref<!tpu.dma_semaphore, #tpu.memory_space<semaphore_mem>>)
        %dma_wait3A_235 = tpu.memref_slice %arg3[%mul3A_2] : memref<20480xf32, #tpu.memory_space<hbm>> -> memref<1280xf32, #tpu.memory_space<hbm>>
        %dma_wait3A_236 = tpu.memref_slice %arg3[%mul3A_2] : memref<20480xf32, #tpu.memory_space<hbm>> -> memref<1280xf32, #tpu.memory_space<hbm>>
        tpu.wait_dma2 semaphore(%run_scoped3A : memref<!tpu.dma_semaphore, #tpu.memory_space<semaphore_mem>>) src(%dma_wait3A_236 : memref<1280xf32, #tpu.memory_space<hbm>>) dst(%arg10 : memref<1280xf32, #tpu.memory_space<vmem>>)
        tpu.yield
      }) : () -> ()
      "tpu.region"() ({
        %run_scoped3A = tpu.sem_alloc : memref<!tpu.dma_semaphore, #tpu.memory_space<semaphore_mem>>
        %dma_start3A_233 = tpu.memref_slice %arg4[%mul3A_2] : memref<20480xf32, #tpu.memory_space<hbm>> -> memref<1280xf32, #tpu.memory_space<hbm>>
        %dma_start3A_234 = tpu.memref_slice %arg4[%mul3A_2] : memref<20480xf32, #tpu.memory_space<hbm>> -> memref<1280xf32, #tpu.memory_space<hbm>>
        tpu.enqueue_dma source(%dma_start3A_234 : memref<1280xf32, #tpu.memory_space<hbm>>) target(%arg11 : memref<1280xf32, #tpu.memory_space<vmem>>) target_semaphore(%run_scoped3A : memref<!tpu.dma_semaphore, #tpu.memory_space<semaphore_mem>>)
        %dma_wait3A_235 = tpu.memref_slice %arg4[%mul3A_2] : memref<20480xf32, #tpu.memory_space<hbm>> -> memref<1280xf32, #tpu.memory_space<hbm>>
        %dma_wait3A_236 = tpu.memref_slice %arg4[%mul3A_2] : memref<20480xf32, #tpu.memory_space<hbm>> -> memref<1280xf32, #tpu.memory_space<hbm>>
        tpu.wait_dma2 semaphore(%run_scoped3A : memref<!tpu.dma_semaphore, #tpu.memory_space<semaphore_mem>>) src(%dma_wait3A_236 : memref<1280xf32, #tpu.memory_space<hbm>>) dst(%arg11 : memref<1280xf32, #tpu.memory_space<vmem>>)
        tpu.yield
      }) : () -> ()
      "tpu.region"() ({
        %run_scoped3A = tpu.sem_alloc : memref<!tpu.dma_semaphore, #tpu.memory_space<semaphore_mem>>
        %dma_start3A_233 = tpu.memref_slice %arg5[%mul3A_2] : memref<20480xf32, #tpu.memory_space<hbm>> -> memref<1280xf32, #tpu.memory_space<hbm>>
        %dma_start3A_234 = tpu.memref_slice %arg5[%mul3A_2] : memref<20480xf32, #tpu.memory_space<hbm>> -> memref<1280xf32, #tpu.memory_space<hbm>>
        tpu.enqueue_dma source(%dma_start3A_234 : memref<1280xf32, #tpu.memory_space<hbm>>) target(%arg12 : memref<1280xf32, #tpu.memory_space<vmem>>) target_semaphore(%run_scoped3A : memref<!tpu.dma_semaphore, #tpu.memory_space<semaphore_mem>>)
        %dma_wait3A_235 = tpu.memref_slice %arg5[%mul3A_2] : memref<20480xf32, #tpu.memory_space<hbm>> -> memref<1280xf32, #tpu.memory_space<hbm>>
        %dma_wait3A_236 = tpu.memref_slice %arg5[%mul3A_2] : memref<20480xf32, #tpu.memory_space<hbm>> -> memref<1280xf32, #tpu.memory_space<hbm>>
        tpu.wait_dma2 semaphore(%run_scoped3A : memref<!tpu.dma_semaphore, #tpu.memory_space<semaphore_mem>>) src(%dma_wait3A_236 : memref<1280xf32, #tpu.memory_space<hbm>>) dst(%arg12 : memref<1280xf32, #tpu.memory_space<vmem>>)
        tpu.yield
      }) : () -> ()
      "tpu.region"() ({
        %run_scoped3A = tpu.sem_alloc : memref<!tpu.dma_semaphore, #tpu.memory_space<semaphore_mem>>
        %dma_start3A_233 = tpu.memref_slice %arg6[%mul3A_2] : memref<20480xf32, #tpu.memory_space<hbm>> -> memref<1280xf32, #tpu.memory_space<hbm>>
        %dma_start3A_234 = tpu.memref_slice %arg6[%mul3A_2] : memref<20480xf32, #tpu.memory_space<hbm>> -> memref<1280xf32, #tpu.memory_space<hbm>>
        tpu.enqueue_dma source(%dma_start3A_234 : memref<1280xf32, #tpu.memory_space<hbm>>) target(%arg13 : memref<1280xf32, #tpu.memory_space<vmem>>) target_semaphore(%run_scoped3A : memref<!tpu.dma_semaphore, #tpu.memory_space<semaphore_mem>>)
        %dma_wait3A_235 = tpu.memref_slice %arg6[%mul3A_2] : memref<20480xf32, #tpu.memory_space<hbm>> -> memref<1280xf32, #tpu.memory_space<hbm>>
        %dma_wait3A_236 = tpu.memref_slice %arg6[%mul3A_2] : memref<20480xf32, #tpu.memory_space<hbm>> -> memref<1280xf32, #tpu.memory_space<hbm>>
        tpu.wait_dma2 semaphore(%run_scoped3A : memref<!tpu.dma_semaphore, #tpu.memory_space<semaphore_mem>>) src(%dma_wait3A_236 : memref<1280xf32, #tpu.memory_space<hbm>>) dst(%arg13 : memref<1280xf32, #tpu.memory_space<vmem>>)
        tpu.yield
      }) : () -> ()
      "tpu.region"() ({
        %run_scoped3A = tpu.sem_alloc : memref<!tpu.dma_semaphore, #tpu.memory_space<semaphore_mem>>
        %dma_start3A_233 = tpu.memref_slice %arg7[%mul3A_2] : memref<20480xi32, #tpu.memory_space<hbm>> -> memref<1280xi32, #tpu.memory_space<hbm>>
        %dma_start3A_234 = tpu.memref_slice %arg7[%mul3A_2] : memref<20480xi32, #tpu.memory_space<hbm>> -> memref<1280xi32, #tpu.memory_space<hbm>>
        tpu.enqueue_dma source(%dma_start3A_234 : memref<1280xi32, #tpu.memory_space<hbm>>) target(%arg14 : memref<1280xi32, #tpu.memory_space<vmem>>) target_semaphore(%run_scoped3A : memref<!tpu.dma_semaphore, #tpu.memory_space<semaphore_mem>>)
        %dma_wait3A_235 = tpu.memref_slice %arg7[%mul3A_2] : memref<20480xi32, #tpu.memory_space<hbm>> -> memref<1280xi32, #tpu.memory_space<hbm>>
        %dma_wait3A_236 = tpu.memref_slice %arg7[%mul3A_2] : memref<20480xi32, #tpu.memory_space<hbm>> -> memref<1280xi32, #tpu.memory_space<hbm>>
        tpu.wait_dma2 semaphore(%run_scoped3A : memref<!tpu.dma_semaphore, #tpu.memory_space<semaphore_mem>>) src(%dma_wait3A_236 : memref<1280xi32, #tpu.memory_space<hbm>>) dst(%arg14 : memref<1280xi32, #tpu.memory_space<vmem>>)
        tpu.yield
      }) : () -> ()
      %scan3A = arith.constant 0 : i32
      %scan3A_3 = arith.constant 0 : i32
      %scan3A_4 = arith.constant 80 : i32
      %scan3A_5 = arith.addi %scan3A_3, %scan3A_4 : i32
      %scan3A_6 = arith.constant 1 : i32
      %scan3A_7 = scf.for %scan3A_233 = %scan3A_3 to %scan3A_5 step %scan3A_6 iter_args(%scan3A_234 = %scan3A) -> (i32)  : i32 {
        %mul3A_235 = arith.constant 16 : i32
        %mul3A_236 = arith.muli %scan3A_233, %mul3A_235 : i32
        %get3A = arith.index_cast %mul3A_236 : i32 to index
        %get3A_237 = tpu.vector_load %arg14[%get3A] {strides = array<i32>} : memref<1280xi32, #tpu.memory_space<vmem>>, vector<16xi32>,
        %reduce_sum3A = arith.constant true
        %reduce_sum3A_238 = vector.broadcast %reduce_sum3A : i1 to vector<16xi1>
        %reduce_sum3A_239 = tpu.scan <sum>, %get3A_237 masked %reduce_sum3A_238 : vector<16xi32>, vector<16xi1> -> vector<16xi32>
        %reduce_sum3A_240 = vector.extract %reduce_sum3A_239[15] : i32 from vector<16xi32>
        %add3A = arith.addi %scan3A_234, %reduce_sum3A_240 : i32
        scf.yield %add3A : i32
      }
      %scan3A_8 = arith.constant 80 : i32
      %broadcast_in_dim3A = vector.broadcast %scan3A_7 : i32 to vector<16xi32>
      %swap3A = arith.constant 0 : index
      %swap3A_9 = tpu.vector_load %arg17[%swap3A] {strides = array<i32>} : memref<16xi32, #tpu.memory_space<vmem>>, vector<16xi32>,
      tpu.vector_store %arg17[%swap3A], %broadcast_in_dim3A {strides = array<i32>} : memref<16xi32, #tpu.memory_space<vmem>>, vector<16xi32>,
      %mul3A_10 = arith.constant 16 : i32
      %mul3A_11 = arith.muli %arg1, %mul3A_10 : i32
      "tpu.region"() ({
        %run_scoped3A = tpu.sem_alloc : memref<!tpu.dma_semaphore, #tpu.memory_space<semaphore_mem>>
        %dma_start3A_233 = tpu.memref_slice %arg19[%mul3A_11] : memref<256xi32, #tpu.memory_space<vmem_shared>> -> memref<16xi32, #tpu.memory_space<vmem_shared>>
        %dma_start3A_234 = tpu.memref_slice %arg19[%mul3A_11] : memref<256xi32, #tpu.memory_space<vmem_shared>> -> memref<16xi32, #tpu.memory_space<vmem_shared>>
        tpu.enqueue_dma source(%arg17 : memref<16xi32, #tpu.memory_space<vmem>>) target(%dma_start3A_234 : memref<16xi32, #tpu.memory_space<vmem_shared>>) target_semaphore(%run_scoped3A : memref<!tpu.dma_semaphore, #tpu.memory_space<semaphore_mem>>)
        %dma_wait3A_235 = tpu.memref_slice %arg19[%mul3A_11] : memref<256xi32, #tpu.memory_space<vmem_shared>> -> memref<16xi32, #tpu.memory_space<vmem_shared>>
        %dma_wait3A_236 = tpu.memref_slice %arg19[%mul3A_11] : memref<256xi32, #tpu.memory_space<vmem_shared>> -> memref<16xi32, #tpu.memory_space<vmem_shared>>
        tpu.wait_dma2 semaphore(%run_scoped3A : memref<!tpu.dma_semaphore, #tpu.memory_space<semaphore_mem>>) src(%arg17 : memref<16xi32, #tpu.memory_space<vmem>>) dst(%dma_wait3A_236 : memref<16xi32, #tpu.memory_space<vmem_shared>>)
        tpu.yield
      }) : () -> ()
      %barrier3A = arith.constant 0 : index
      tpu.barrier barrier_id(%barrier3A)
      "tpu.region"() ({
        %run_scoped3A = tpu.sem_alloc : memref<!tpu.dma_semaphore, #tpu.memory_space<semaphore_mem>>
        tpu.enqueue_dma source(%arg19 : memref<256xi32, #tpu.memory_space<vmem_shared>>) target(%arg18 : memref<256xi32, #tpu.memory_space<vmem>>) target_semaphore(%run_scoped3A : memref<!tpu.dma_semaphore, #tpu.memory_space<semaphore_mem>>)
        tpu.wait_dma2 semaphore(%run_scoped3A : memref<!tpu.dma_semaphore, #tpu.memory_space<semaphore_mem>>) src(%arg19 : memref<256xi32, #tpu.memory_space<vmem_shared>>) dst(%arg18 : memref<256xi32, #tpu.memory_space<vmem>>)
        tpu.yield
      }) : () -> ()
      %scan3A_12 = arith.constant 0 : i32
      %scan3A_13 = arith.constant 0 : i32
      %scan3A_14 = arith.constant 16 : i32
      %scan3A_15 = arith.addi %scan3A_13, %scan3A_14 : i32
      %scan3A_16 = arith.constant 1 : i32
      %scan3A_17 = scf.for %scan3A_233 = %scan3A_13 to %scan3A_15 step %scan3A_16 iter_args(%scan3A_234 = %scan3A_12) -> (i32)  : i32 {
        %mul3A_235 = arith.constant 16 : i32
        %mul3A_236 = arith.muli %scan3A_233, %mul3A_235 : i32
        %get3A = arith.index_cast %mul3A_236 : i32 to index
        %get3A_237 = tpu.vector_load %arg18[%get3A] {strides = array<i32>} : memref<256xi32, #tpu.memory_space<vmem>>, vector<16xi32>,
        %lt3A = arith.cmpi slt, %scan3A_233, %arg1 : i32
        %slice3A = vector.extract_strided_slice %get3A_237 {offsets = [0], sizes = [1], strides = [1]} : vector<16xi32> to vector<1xi32>
        %squeeze3A = vector.extract %slice3A[0] : i32 from vector<1xi32>
        %jit3A = arith.constant 0 : i32
        %select_n3A = arith.select %lt3A, %squeeze3A, %jit3A : i32
        %add3A = arith.addi %scan3A_234, %select_n3A : i32
        scf.yield %add3A : i32
      }
      %scan3A_18 = arith.constant 16 : i32
      %iota3A = tpu.iota {dimensions = array<i32: 0>} : vector<16xi32>
      %broadcast_in_dim3A_19 = arith.constant 0 : i32
      %broadcast_in_dim3A_20 = vector.broadcast %broadcast_in_dim3A_19 : i32 to vector<16xi32>
      %broadcast_in_dim3A_21 = arith.constant 1 : i32
      %broadcast_in_dim3A_22 = vector.broadcast %broadcast_in_dim3A_21 : i32 to vector<16xi32>
      %broadcast_in_dim3A_23 = arith.constant 2 : i32
      %broadcast_in_dim3A_24 = vector.broadcast %broadcast_in_dim3A_23 : i32 to vector<16xi32>
      %broadcast_in_dim3A_25 = arith.constant 3 : i32
      %broadcast_in_dim3A_26 = vector.broadcast %broadcast_in_dim3A_25 : i32 to vector<16xi32>
      %broadcast_in_dim3A_27 = arith.constant 4 : i32
      %broadcast_in_dim3A_28 = vector.broadcast %broadcast_in_dim3A_27 : i32 to vector<16xi32>
      %scan3A_29 = arith.constant 0 : i32
      %scan3A_30 = arith.constant 80 : i32
      %scan3A_31 = arith.addi %scan3A_29, %scan3A_30 : i32
      %scan3A_32 = arith.constant 1 : i32
      %scan3A_33 = scf.for %scan3A_233 = %scan3A_29 to %scan3A_31 step %scan3A_32 iter_args(%scan3A_234 = %scan3A_17) -> (i32)  : i32 {
        %mul3A_235 = arith.constant 16 : i32
        %mul3A_236 = arith.muli %scan3A_233, %mul3A_235 : i32
        %get3A = arith.index_cast %mul3A_236 : i32 to index
        %get3A_237 = tpu.vector_load %arg14[%get3A] {strides = array<i32>} : memref<1280xi32, #tpu.memory_space<vmem>>, vector<16xi32>,
        %gt3A = arith.constant 0 : i32
        %gt3A_238 = vector.broadcast %gt3A : i32 to vector<16xi32>
        %gt3A_239 = arith.cmpi sgt, %get3A_237, %gt3A_238 : vector<16xi32>
        %broadcast_in_dim3A_240 = arith.constant true
        %broadcast_in_dim3A_241 = vector.broadcast %broadcast_in_dim3A_240 : i1 to vector<16xi1>
        %masked_cumsum3A = tpu.scan <sum>, %get3A_237 masked %broadcast_in_dim3A_241 : vector<16xi32>, vector<16xi1> -> vector<16xi32>
        %add3A = vector.broadcast %scan3A_234 : i32 to vector<16xi32>
        %add3A_242 = arith.addi %add3A, %masked_cumsum3A : vector<16xi32>
        %sub3A = arith.constant 1 : i32
        %sub3A_243 = vector.broadcast %sub3A : i32 to vector<16xi32>
        %sub3A_244 = arith.subi %add3A_242, %sub3A_243 : vector<16xi32>
        %add3A_245 = arith.constant 2048 : i32
        %add3A_246 = arith.addi %add3A_245, %arg1 : i32
        %broadcast_in_dim3A_247 = vector.broadcast %add3A_246 : i32 to vector<16xi32>
        %select_n3A = arith.select %gt3A_239, %sub3A_244, %broadcast_in_dim3A_247 : vector<16xi1>, vector<16xi32>
        %mul3A_248 = arith.constant 16 : i32
        %mul3A_249 = arith.muli %scan3A_233, %mul3A_248 : i32
        %add3A_250 = vector.broadcast %mul3A_249 : i32 to vector<16xi32>
        %add3A_251 = arith.addi %add3A_250, %iota3A : vector<16xi32>
        %shift_right_arithmetic3A = arith.constant 7 : i32
        %shift_right_arithmetic3A_252 = vector.broadcast %shift_right_arithmetic3A : i32 to vector<16xi32>
        %shift_right_arithmetic3A_253 = arith.shrsi %add3A_251, %shift_right_arithmetic3A_252 : vector<16xi32>
        %and3A = arith.constant 127 : i32
        %and3A_254 = vector.broadcast %and3A : i32 to vector<16xi32>
        %and3A_255 = arith.andi %add3A_251, %and3A_254 : vector<16xi32>
        tpu.vector_store_idx %arg16[%shift_right_arithmetic3A_253, %and3A_255], %select_n3A : memref<10x128xi32, #tpu.memory_space<vmem>>[vector<16xi32>, vector<16xi32>], vector<16xi32>,
        %mul3A_256 = arith.constant 16 : i32
        %mul3A_257 = arith.muli %scan3A_233, %mul3A_256 : i32
        %get3A_258 = arith.index_cast %mul3A_257 : i32 to index
        %get3A_259 = tpu.vector_load %arg9[%get3A_258] {strides = array<i32>} : memref<1280xf32, #tpu.memory_space<vmem>>, vector<16xf32>,
        tpu.vector_store_idx %arg15[%add3A_251, %broadcast_in_dim3A_20], %get3A_259 : memref<1280x16xf32, #tpu.memory_space<vmem>>[vector<16xi32>, vector<16xi32>], vector<16xf32>,
        %mul3A_260 = arith.constant 16 : i32
        %mul3A_261 = arith.muli %scan3A_233, %mul3A_260 : i32
        %get3A_262 = arith.index_cast %mul3A_261 : i32 to index
        %get3A_263 = tpu.vector_load %arg10[%get3A_262] {strides = array<i32>} : memref<1280xf32, #tpu.memory_space<vmem>>, vector<16xf32>,
        tpu.vector_store_idx %arg15[%add3A_251, %broadcast_in_dim3A_22], %get3A_263 : memref<1280x16xf32, #tpu.memory_space<vmem>>[vector<16xi32>, vector<16xi32>], vector<16xf32>,
        %mul3A_264 = arith.constant 16 : i32
        %mul3A_265 = arith.muli %scan3A_233, %mul3A_264 : i32
        %get3A_266 = arith.index_cast %mul3A_265 : i32 to index
        %get3A_267 = tpu.vector_load %arg11[%get3A_266] {strides = array<i32>} : memref<1280xf32, #tpu.memory_space<vmem>>, vector<16xf32>,
        tpu.vector_store_idx %arg15[%add3A_251, %broadcast_in_dim3A_24], %get3A_267 : memref<1280x16xf32, #tpu.memory_space<vmem>>[vector<16xi32>, vector<16xi32>], vector<16xf32>,
        %mul3A_268 = arith.constant 16 : i32
        %mul3A_269 = arith.muli %scan3A_233, %mul3A_268 : i32
        %get3A_270 = arith.index_cast %mul3A_269 : i32 to index
        %get3A_271 = tpu.vector_load %arg12[%get3A_270] {strides = array<i32>} : memref<1280xf32, #tpu.memory_space<vmem>>, vector<16xf32>,
        tpu.vector_store_idx %arg15[%add3A_251, %broadcast_in_dim3A_26], %get3A_271 : memref<1280x16xf32, #tpu.memory_space<vmem>>[vector<16xi32>, vector<16xi32>], vector<16xf32>,
        %mul3A_272 = arith.constant 16 : i32
        %mul3A_273 = arith.muli %scan3A_233, %mul3A_272 : i32
        %get3A_274 = arith.index_cast %mul3A_273 : i32 to index
        %get3A_275 = tpu.vector_load %arg13[%get3A_274] {strides = array<i32>} : memref<1280xf32, #tpu.memory_space<vmem>>, vector<16xf32>,
        tpu.vector_store_idx %arg15[%add3A_251, %broadcast_in_dim3A_28], %get3A_275 : memref<1280x16xf32, #tpu.memory_space<vmem>>[vector<16xi32>, vector<16xi32>], vector<16xf32>,
        %reduce_max3A = arith.constant true
        %reduce_max3A_276 = vector.broadcast %reduce_max3A : i1 to vector<16xi1>
        %reduce_max3A_277 = arith.constant -2147483648 : i32
        %reduce_max3A_278 = vector.broadcast %reduce_max3A_277 : i32 to vector<16xi32>
        %reduce_max3A_279 = arith.xori %masked_cumsum3A, %reduce_max3A_278 : vector<16xi32>
        %reduce_max3A_280 = tpu.scan <max>, %reduce_max3A_279 masked %reduce_max3A_276 : vector<16xi32>, vector<16xi1> -> vector<16xi32>
        %reduce_max3A_281 = arith.xori %reduce_max3A_280, %reduce_max3A_278 : vector<16xi32>
        %reduce_max3A_282 = vector.extract %reduce_max3A_281[15] : i32 from vector<16xi32>
        %add3A_283 = arith.addi %scan3A_234, %reduce_max3A_282 : i32
        scf.yield %add3A_283 : i32
      }
      %scan3A_34 = arith.constant 80 : i32
      %dma_start3A = arith.constant 0 : i32
      %dma_start3A_35 = arith.constant 0 : i32
      %dma_start3A_36 = arith.constant 0 : i32
      %dma_start3A_37 = tpu.memref_slice %arg15[%dma_start3A_35, %dma_start3A_36] : memref<1280x16xf32, #tpu.memory_space<vmem>> -> memref<128x16xf32, #tpu.memory_space<vmem>>
      %dma_start3A_38 = arith.constant 0 : i32
      %dma_start3A_39 = tpu.memref_slice %arg16[%dma_start3A, %dma_start3A_38] : memref<10x128xi32, #tpu.memory_space<vmem>> -> memref<1x128xi32, #tpu.memory_space<vmem>>
      %dma_start3A_40 = tpu.memref_squeeze %dma_start3A_39 : memref<1x128xi32, #tpu.memory_space<vmem>> -> memref<128xi32, #tpu.memory_space<vmem>>
      %dma_start3A_41 = arith.constant 0 : i32
      %dma_start3A_42 = arith.constant 0 : i32
      %dma_start3A_43 = tpu.memref_slice %arg8[%dma_start3A_41, %dma_start3A_42] : memref<2064x16xf32, #tpu.memory_space<hbm>> -> memref<2064x16xf32, #tpu.memory_space<hbm>>
      tpu.enqueue_indirect_dma source(%dma_start3A_37 : memref<128x16xf32, #tpu.memory_space<vmem>>) target(%dma_start3A_43 : memref<2064x16xf32, #tpu.memory_space<hbm>>) offsets(%dma_start3A_40 : memref<128xi32, #tpu.memory_space<vmem>>) semaphore(%arg20 : memref<!tpu.dma_semaphore, #tpu.memory_space<semaphore_mem>>)
      %dma_wait3A = arith.constant 0 : i32
      %dma_wait3A_44 = arith.constant 0 : i32
      %dma_wait3A_45 = arith.constant 0 : i32
      %dma_wait3A_46 = tpu.memref_slice %arg15[%dma_wait3A_44, %dma_wait3A_45] : memref<1280x16xf32, #tpu.memory_space<vmem>> -> memref<128x16xf32, #tpu.memory_space<vmem>>
      %dma_wait3A_47 = arith.constant 0 : i32
      %dma_wait3A_48 = tpu.memref_slice %arg16[%dma_wait3A, %dma_wait3A_47] : memref<10x128xi32, #tpu.memory_space<vmem>> -> memref<1x128xi32, #tpu.memory_space<vmem>>
      %dma_wait3A_49 = tpu.memref_squeeze %dma_wait3A_48 : memref<1x128xi32, #tpu.memory_space<vmem>> -> memref<128xi32, #tpu.memory_space<vmem>>
      %dma_wait3A_50 = arith.constant 0 : i32
      %dma_wait3A_51 = arith.constant 0 : i32
      %dma_wait3A_52 = tpu.memref_slice %arg8[%dma_wait3A_50, %dma_wait3A_51] : memref<2064x16xf32, #tpu.memory_space<hbm>> -> memref<2064x16xf32, #tpu.memory_space<hbm>>
      tpu.wait_indirect_dma semaphore(%arg20 : memref<!tpu.dma_semaphore, #tpu.memory_space<semaphore_mem>>) src(%dma_wait3A_46 : memref<128x16xf32, #tpu.memory_space<vmem>>) dst(%dma_wait3A_52 : memref<2064x16xf32, #tpu.memory_space<hbm>>)
      %dma_start3A_53 = arith.constant 1 : i32
      %dma_start3A_54 = arith.constant 128 : i32
      %dma_start3A_55 = arith.constant 0 : i32
      %dma_start3A_56 = tpu.memref_slice %arg15[%dma_start3A_54, %dma_start3A_55] : memref<1280x16xf32, #tpu.memory_space<vmem>> -> memref<128x16xf32, #tpu.memory_space<vmem>>
      %dma_start3A_57 = arith.constant 0 : i32
      %dma_start3A_58 = tpu.memref_slice %arg16[%dma_start3A_53, %dma_start3A_57] : memref<10x128xi32, #tpu.memory_space<vmem>> -> memref<1x128xi32, #tpu.memory_space<vmem>>
      %dma_start3A_59 = tpu.memref_squeeze %dma_start3A_58 : memref<1x128xi32, #tpu.memory_space<vmem>> -> memref<128xi32, #tpu.memory_space<vmem>>
      %dma_start3A_60 = arith.constant 0 : i32
      %dma_start3A_61 = arith.constant 0 : i32
      %dma_start3A_62 = tpu.memref_slice %arg8[%dma_start3A_60, %dma_start3A_61] : memref<2064x16xf32, #tpu.memory_space<hbm>> -> memref<2064x16xf32, #tpu.memory_space<hbm>>
      tpu.enqueue_indirect_dma source(%dma_start3A_56 : memref<128x16xf32, #tpu.memory_space<vmem>>) target(%dma_start3A_62 : memref<2064x16xf32, #tpu.memory_space<hbm>>) offsets(%dma_start3A_59 : memref<128xi32, #tpu.memory_space<vmem>>) semaphore(%arg20 : memref<!tpu.dma_semaphore, #tpu.memory_space<semaphore_mem>>)
      %dma_wait3A_63 = arith.constant 1 : i32
      %dma_wait3A_64 = arith.constant 128 : i32
      %dma_wait3A_65 = arith.constant 0 : i32
      %dma_wait3A_66 = tpu.memref_slice %arg15[%dma_wait3A_64, %dma_wait3A_65] : memref<1280x16xf32, #tpu.memory_space<vmem>> -> memref<128x16xf32, #tpu.memory_space<vmem>>
      %dma_wait3A_67 = arith.constant 0 : i32
      %dma_wait3A_68 = tpu.memref_slice %arg16[%dma_wait3A_63, %dma_wait3A_67] : memref<10x128xi32, #tpu.memory_space<vmem>> -> memref<1x128xi32, #tpu.memory_space<vmem>>
      %dma_wait3A_69 = tpu.memref_squeeze %dma_wait3A_68 : memref<1x128xi32, #tpu.memory_space<vmem>> -> memref<128xi32, #tpu.memory_space<vmem>>
      %dma_wait3A_70 = arith.constant 0 : i32
      %dma_wait3A_71 = arith.constant 0 : i32
      %dma_wait3A_72 = tpu.memref_slice %arg8[%dma_wait3A_70, %dma_wait3A_71] : memref<2064x16xf32, #tpu.memory_space<hbm>> -> memref<2064x16xf32, #tpu.memory_space<hbm>>
      tpu.wait_indirect_dma semaphore(%arg20 : memref<!tpu.dma_semaphore, #tpu.memory_space<semaphore_mem>>) src(%dma_wait3A_66 : memref<128x16xf32, #tpu.memory_space<vmem>>) dst(%dma_wait3A_72 : memref<2064x16xf32, #tpu.memory_space<hbm>>)
      %dma_start3A_73 = arith.constant 2 : i32
      %dma_start3A_74 = arith.constant 256 : i32
      %dma_start3A_75 = arith.constant 0 : i32
      %dma_start3A_76 = tpu.memref_slice %arg15[%dma_start3A_74, %dma_start3A_75] : memref<1280x16xf32, #tpu.memory_space<vmem>> -> memref<128x16xf32, #tpu.memory_space<vmem>>
      %dma_start3A_77 = arith.constant 0 : i32
      %dma_start3A_78 = tpu.memref_slice %arg16[%dma_start3A_73, %dma_start3A_77] : memref<10x128xi32, #tpu.memory_space<vmem>> -> memref<1x128xi32, #tpu.memory_space<vmem>>
      %dma_start3A_79 = tpu.memref_squeeze %dma_start3A_78 : memref<1x128xi32, #tpu.memory_space<vmem>> -> memref<128xi32, #tpu.memory_space<vmem>>
      %dma_start3A_80 = arith.constant 0 : i32
      %dma_start3A_81 = arith.constant 0 : i32
      %dma_start3A_82 = tpu.memref_slice %arg8[%dma_start3A_80, %dma_start3A_81] : memref<2064x16xf32, #tpu.memory_space<hbm>> -> memref<2064x16xf32, #tpu.memory_space<hbm>>
      tpu.enqueue_indirect_dma source(%dma_start3A_76 : memref<128x16xf32, #tpu.memory_space<vmem>>) target(%dma_start3A_82 : memref<2064x16xf32, #tpu.memory_space<hbm>>) offsets(%dma_start3A_79 : memref<128xi32, #tpu.memory_space<vmem>>) semaphore(%arg20 : memref<!tpu.dma_semaphore, #tpu.memory_space<semaphore_mem>>)
      %dma_wait3A_83 = arith.constant 2 : i32
      %dma_wait3A_84 = arith.constant 256 : i32
      %dma_wait3A_85 = arith.constant 0 : i32
      %dma_wait3A_86 = tpu.memref_slice %arg15[%dma_wait3A_84, %dma_wait3A_85] : memref<1280x16xf32, #tpu.memory_space<vmem>> -> memref<128x16xf32, #tpu.memory_space<vmem>>
      %dma_wait3A_87 = arith.constant 0 : i32
      %dma_wait3A_88 = tpu.memref_slice %arg16[%dma_wait3A_83, %dma_wait3A_87] : memref<10x128xi32, #tpu.memory_space<vmem>> -> memref<1x128xi32, #tpu.memory_space<vmem>>
      %dma_wait3A_89 = tpu.memref_squeeze %dma_wait3A_88 : memref<1x128xi32, #tpu.memory_space<vmem>> -> memref<128xi32, #tpu.memory_space<vmem>>
      %dma_wait3A_90 = arith.constant 0 : i32
      %dma_wait3A_91 = arith.constant 0 : i32
      %dma_wait3A_92 = tpu.memref_slice %arg8[%dma_wait3A_90, %dma_wait3A_91] : memref<2064x16xf32, #tpu.memory_space<hbm>> -> memref<2064x16xf32, #tpu.memory_space<hbm>>
      tpu.wait_indirect_dma semaphore(%arg20 : memref<!tpu.dma_semaphore, #tpu.memory_space<semaphore_mem>>) src(%dma_wait3A_86 : memref<128x16xf32, #tpu.memory_space<vmem>>) dst(%dma_wait3A_92 : memref<2064x16xf32, #tpu.memory_space<hbm>>)
      %dma_start3A_93 = arith.constant 3 : i32
      %dma_start3A_94 = arith.constant 384 : i32
      %dma_start3A_95 = arith.constant 0 : i32
      %dma_start3A_96 = tpu.memref_slice %arg15[%dma_start3A_94, %dma_start3A_95] : memref<1280x16xf32, #tpu.memory_space<vmem>> -> memref<128x16xf32, #tpu.memory_space<vmem>>
      %dma_start3A_97 = arith.constant 0 : i32
      %dma_start3A_98 = tpu.memref_slice %arg16[%dma_start3A_93, %dma_start3A_97] : memref<10x128xi32, #tpu.memory_space<vmem>> -> memref<1x128xi32, #tpu.memory_space<vmem>>
      %dma_start3A_99 = tpu.memref_squeeze %dma_start3A_98 : memref<1x128xi32, #tpu.memory_space<vmem>> -> memref<128xi32, #tpu.memory_space<vmem>>
      %dma_start3A_100 = arith.constant 0 : i32
      %dma_start3A_101 = arith.constant 0 : i32
      %dma_start3A_102 = tpu.memref_slice %arg8[%dma_start3A_100, %dma_start3A_101] : memref<2064x16xf32, #tpu.memory_space<hbm>> -> memref<2064x16xf32, #tpu.memory_space<hbm>>
      tpu.enqueue_indirect_dma source(%dma_start3A_96 : memref<128x16xf32, #tpu.memory_space<vmem>>) target(%dma_start3A_102 : memref<2064x16xf32, #tpu.memory_space<hbm>>) offsets(%dma_start3A_99 : memref<128xi32, #tpu.memory_space<vmem>>) semaphore(%arg20 : memref<!tpu.dma_semaphore, #tpu.memory_space<semaphore_mem>>)
      %dma_wait3A_103 = arith.constant 3 : i32
      %dma_wait3A_104 = arith.constant 384 : i32
      %dma_wait3A_105 = arith.constant 0 : i32
      %dma_wait3A_106 = tpu.memref_slice %arg15[%dma_wait3A_104, %dma_wait3A_105] : memref<1280x16xf32, #tpu.memory_space<vmem>> -> memref<128x16xf32, #tpu.memory_space<vmem>>
      %dma_wait3A_107 = arith.constant 0 : i32
      %dma_wait3A_108 = tpu.memref_slice %arg16[%dma_wait3A_103, %dma_wait3A_107] : memref<10x128xi32, #tpu.memory_space<vmem>> -> memref<1x128xi32, #tpu.memory_space<vmem>>
      %dma_wait3A_109 = tpu.memref_squeeze %dma_wait3A_108 : memref<1x128xi32, #tpu.memory_space<vmem>> -> memref<128xi32, #tpu.memory_space<vmem>>
      %dma_wait3A_110 = arith.constant 0 : i32
      %dma_wait3A_111 = arith.constant 0 : i32
      %dma_wait3A_112 = tpu.memref_slice %arg8[%dma_wait3A_110, %dma_wait3A_111] : memref<2064x16xf32, #tpu.memory_space<hbm>> -> memref<2064x16xf32, #tpu.memory_space<hbm>>
      tpu.wait_indirect_dma semaphore(%arg20 : memref<!tpu.dma_semaphore, #tpu.memory_space<semaphore_mem>>) src(%dma_wait3A_106 : memref<128x16xf32, #tpu.memory_space<vmem>>) dst(%dma_wait3A_112 : memref<2064x16xf32, #tpu.memory_space<hbm>>)
      %dma_start3A_113 = arith.constant 4 : i32
      %dma_start3A_114 = arith.constant 512 : i32
      %dma_start3A_115 = arith.constant 0 : i32
      %dma_start3A_116 = tpu.memref_slice %arg15[%dma_start3A_114, %dma_start3A_115] : memref<1280x16xf32, #tpu.memory_space<vmem>> -> memref<128x16xf32, #tpu.memory_space<vmem>>
      %dma_start3A_117 = arith.constant 0 : i32
      %dma_start3A_118 = tpu.memref_slice %arg16[%dma_start3A_113, %dma_start3A_117] : memref<10x128xi32, #tpu.memory_space<vmem>> -> memref<1x128xi32, #tpu.memory_space<vmem>>
      %dma_start3A_119 = tpu.memref_squeeze %dma_start3A_118 : memref<1x128xi32, #tpu.memory_space<vmem>> -> memref<128xi32, #tpu.memory_space<vmem>>
      %dma_start3A_120 = arith.constant 0 : i32
      %dma_start3A_121 = arith.constant 0 : i32
      %dma_start3A_122 = tpu.memref_slice %arg8[%dma_start3A_120, %dma_start3A_121] : memref<2064x16xf32, #tpu.memory_space<hbm>> -> memref<2064x16xf32, #tpu.memory_space<hbm>>
      tpu.enqueue_indirect_dma source(%dma_start3A_116 : memref<128x16xf32, #tpu.memory_space<vmem>>) target(%dma_start3A_122 : memref<2064x16xf32, #tpu.memory_space<hbm>>) offsets(%dma_start3A_119 : memref<128xi32, #tpu.memory_space<vmem>>) semaphore(%arg20 : memref<!tpu.dma_semaphore, #tpu.memory_space<semaphore_mem>>)
      %dma_wait3A_123 = arith.constant 4 : i32
      %dma_wait3A_124 = arith.constant 512 : i32
      %dma_wait3A_125 = arith.constant 0 : i32
      %dma_wait3A_126 = tpu.memref_slice %arg15[%dma_wait3A_124, %dma_wait3A_125] : memref<1280x16xf32, #tpu.memory_space<vmem>> -> memref<128x16xf32, #tpu.memory_space<vmem>>
      %dma_wait3A_127 = arith.constant 0 : i32
      %dma_wait3A_128 = tpu.memref_slice %arg16[%dma_wait3A_123, %dma_wait3A_127] : memref<10x128xi32, #tpu.memory_space<vmem>> -> memref<1x128xi32, #tpu.memory_space<vmem>>
      %dma_wait3A_129 = tpu.memref_squeeze %dma_wait3A_128 : memref<1x128xi32, #tpu.memory_space<vmem>> -> memref<128xi32, #tpu.memory_space<vmem>>
      %dma_wait3A_130 = arith.constant 0 : i32
      %dma_wait3A_131 = arith.constant 0 : i32
      %dma_wait3A_132 = tpu.memref_slice %arg8[%dma_wait3A_130, %dma_wait3A_131] : memref<2064x16xf32, #tpu.memory_space<hbm>> -> memref<2064x16xf32, #tpu.memory_space<hbm>>
      tpu.wait_indirect_dma semaphore(%arg20 : memref<!tpu.dma_semaphore, #tpu.memory_space<semaphore_mem>>) src(%dma_wait3A_126 : memref<128x16xf32, #tpu.memory_space<vmem>>) dst(%dma_wait3A_132 : memref<2064x16xf32, #tpu.memory_space<hbm>>)
      %dma_start3A_133 = arith.constant 5 : i32
      %dma_start3A_134 = arith.constant 640 : i32
      %dma_start3A_135 = arith.constant 0 : i32
      %dma_start3A_136 = tpu.memref_slice %arg15[%dma_start3A_134, %dma_start3A_135] : memref<1280x16xf32, #tpu.memory_space<vmem>> -> memref<128x16xf32, #tpu.memory_space<vmem>>
      %dma_start3A_137 = arith.constant 0 : i32
      %dma_start3A_138 = tpu.memref_slice %arg16[%dma_start3A_133, %dma_start3A_137] : memref<10x128xi32, #tpu.memory_space<vmem>> -> memref<1x128xi32, #tpu.memory_space<vmem>>
      %dma_start3A_139 = tpu.memref_squeeze %dma_start3A_138 : memref<1x128xi32, #tpu.memory_space<vmem>> -> memref<128xi32, #tpu.memory_space<vmem>>
      %dma_start3A_140 = arith.constant 0 : i32
      %dma_start3A_141 = arith.constant 0 : i32
      %dma_start3A_142 = tpu.memref_slice %arg8[%dma_start3A_140, %dma_start3A_141] : memref<2064x16xf32, #tpu.memory_space<hbm>> -> memref<2064x16xf32, #tpu.memory_space<hbm>>
      tpu.enqueue_indirect_dma source(%dma_start3A_136 : memref<128x16xf32, #tpu.memory_space<vmem>>) target(%dma_start3A_142 : memref<2064x16xf32, #tpu.memory_space<hbm>>) offsets(%dma_start3A_139 : memref<128xi32, #tpu.memory_space<vmem>>) semaphore(%arg20 : memref<!tpu.dma_semaphore, #tpu.memory_space<semaphore_mem>>)
      %dma_wait3A_143 = arith.constant 5 : i32
      %dma_wait3A_144 = arith.constant 640 : i32
      %dma_wait3A_145 = arith.constant 0 : i32
      %dma_wait3A_146 = tpu.memref_slice %arg15[%dma_wait3A_144, %dma_wait3A_145] : memref<1280x16xf32, #tpu.memory_space<vmem>> -> memref<128x16xf32, #tpu.memory_space<vmem>>
      %dma_wait3A_147 = arith.constant 0 : i32
      %dma_wait3A_148 = tpu.memref_slice %arg16[%dma_wait3A_143, %dma_wait3A_147] : memref<10x128xi32, #tpu.memory_space<vmem>> -> memref<1x128xi32, #tpu.memory_space<vmem>>
      %dma_wait3A_149 = tpu.memref_squeeze %dma_wait3A_148 : memref<1x128xi32, #tpu.memory_space<vmem>> -> memref<128xi32, #tpu.memory_space<vmem>>
      %dma_wait3A_150 = arith.constant 0 : i32
      %dma_wait3A_151 = arith.constant 0 : i32
      %dma_wait3A_152 = tpu.memref_slice %arg8[%dma_wait3A_150, %dma_wait3A_151] : memref<2064x16xf32, #tpu.memory_space<hbm>> -> memref<2064x16xf32, #tpu.memory_space<hbm>>
      tpu.wait_indirect_dma semaphore(%arg20 : memref<!tpu.dma_semaphore, #tpu.memory_space<semaphore_mem>>) src(%dma_wait3A_146 : memref<128x16xf32, #tpu.memory_space<vmem>>) dst(%dma_wait3A_152 : memref<2064x16xf32, #tpu.memory_space<hbm>>)
      %dma_start3A_153 = arith.constant 6 : i32
      %dma_start3A_154 = arith.constant 768 : i32
      %dma_start3A_155 = arith.constant 0 : i32
      %dma_start3A_156 = tpu.memref_slice %arg15[%dma_start3A_154, %dma_start3A_155] : memref<1280x16xf32, #tpu.memory_space<vmem>> -> memref<128x16xf32, #tpu.memory_space<vmem>>
      %dma_start3A_157 = arith.constant 0 : i32
      %dma_start3A_158 = tpu.memref_slice %arg16[%dma_start3A_153, %dma_start3A_157] : memref<10x128xi32, #tpu.memory_space<vmem>> -> memref<1x128xi32, #tpu.memory_space<vmem>>
      %dma_start3A_159 = tpu.memref_squeeze %dma_start3A_158 : memref<1x128xi32, #tpu.memory_space<vmem>> -> memref<128xi32, #tpu.memory_space<vmem>>
      %dma_start3A_160 = arith.constant 0 : i32
      %dma_start3A_161 = arith.constant 0 : i32
      %dma_start3A_162 = tpu.memref_slice %arg8[%dma_start3A_160, %dma_start3A_161] : memref<2064x16xf32, #tpu.memory_space<hbm>> -> memref<2064x16xf32, #tpu.memory_space<hbm>>
      tpu.enqueue_indirect_dma source(%dma_start3A_156 : memref<128x16xf32, #tpu.memory_space<vmem>>) target(%dma_start3A_162 : memref<2064x16xf32, #tpu.memory_space<hbm>>) offsets(%dma_start3A_159 : memref<128xi32, #tpu.memory_space<vmem>>) semaphore(%arg20 : memref<!tpu.dma_semaphore, #tpu.memory_space<semaphore_mem>>)
      %dma_wait3A_163 = arith.constant 6 : i32
      %dma_wait3A_164 = arith.constant 768 : i32
      %dma_wait3A_165 = arith.constant 0 : i32
      %dma_wait3A_166 = tpu.memref_slice %arg15[%dma_wait3A_164, %dma_wait3A_165] : memref<1280x16xf32, #tpu.memory_space<vmem>> -> memref<128x16xf32, #tpu.memory_space<vmem>>
      %dma_wait3A_167 = arith.constant 0 : i32
      %dma_wait3A_168 = tpu.memref_slice %arg16[%dma_wait3A_163, %dma_wait3A_167] : memref<10x128xi32, #tpu.memory_space<vmem>> -> memref<1x128xi32, #tpu.memory_space<vmem>>
      %dma_wait3A_169 = tpu.memref_squeeze %dma_wait3A_168 : memref<1x128xi32, #tpu.memory_space<vmem>> -> memref<128xi32, #tpu.memory_space<vmem>>
      %dma_wait3A_170 = arith.constant 0 : i32
      %dma_wait3A_171 = arith.constant 0 : i32
      %dma_wait3A_172 = tpu.memref_slice %arg8[%dma_wait3A_170, %dma_wait3A_171] : memref<2064x16xf32, #tpu.memory_space<hbm>> -> memref<2064x16xf32, #tpu.memory_space<hbm>>
      tpu.wait_indirect_dma semaphore(%arg20 : memref<!tpu.dma_semaphore, #tpu.memory_space<semaphore_mem>>) src(%dma_wait3A_166 : memref<128x16xf32, #tpu.memory_space<vmem>>) dst(%dma_wait3A_172 : memref<2064x16xf32, #tpu.memory_space<hbm>>)
      %dma_start3A_173 = arith.constant 7 : i32
      %dma_start3A_174 = arith.constant 896 : i32
      %dma_start3A_175 = arith.constant 0 : i32
      %dma_start3A_176 = tpu.memref_slice %arg15[%dma_start3A_174, %dma_start3A_175] : memref<1280x16xf32, #tpu.memory_space<vmem>> -> memref<128x16xf32, #tpu.memory_space<vmem>>
      %dma_start3A_177 = arith.constant 0 : i32
      %dma_start3A_178 = tpu.memref_slice %arg16[%dma_start3A_173, %dma_start3A_177] : memref<10x128xi32, #tpu.memory_space<vmem>> -> memref<1x128xi32, #tpu.memory_space<vmem>>
      %dma_start3A_179 = tpu.memref_squeeze %dma_start3A_178 : memref<1x128xi32, #tpu.memory_space<vmem>> -> memref<128xi32, #tpu.memory_space<vmem>>
      %dma_start3A_180 = arith.constant 0 : i32
      %dma_start3A_181 = arith.constant 0 : i32
      %dma_start3A_182 = tpu.memref_slice %arg8[%dma_start3A_180, %dma_start3A_181] : memref<2064x16xf32, #tpu.memory_space<hbm>> -> memref<2064x16xf32, #tpu.memory_space<hbm>>
      tpu.enqueue_indirect_dma source(%dma_start3A_176 : memref<128x16xf32, #tpu.memory_space<vmem>>) target(%dma_start3A_182 : memref<2064x16xf32, #tpu.memory_space<hbm>>) offsets(%dma_start3A_179 : memref<128xi32, #tpu.memory_space<vmem>>) semaphore(%arg20 : memref<!tpu.dma_semaphore, #tpu.memory_space<semaphore_mem>>)
      %dma_wait3A_183 = arith.constant 7 : i32
      %dma_wait3A_184 = arith.constant 896 : i32
      %dma_wait3A_185 = arith.constant 0 : i32
      %dma_wait3A_186 = tpu.memref_slice %arg15[%dma_wait3A_184, %dma_wait3A_185] : memref<1280x16xf32, #tpu.memory_space<vmem>> -> memref<128x16xf32, #tpu.memory_space<vmem>>
      %dma_wait3A_187 = arith.constant 0 : i32
      %dma_wait3A_188 = tpu.memref_slice %arg16[%dma_wait3A_183, %dma_wait3A_187] : memref<10x128xi32, #tpu.memory_space<vmem>> -> memref<1x128xi32, #tpu.memory_space<vmem>>
      %dma_wait3A_189 = tpu.memref_squeeze %dma_wait3A_188 : memref<1x128xi32, #tpu.memory_space<vmem>> -> memref<128xi32, #tpu.memory_space<vmem>>
      %dma_wait3A_190 = arith.constant 0 : i32
      %dma_wait3A_191 = arith.constant 0 : i32
      %dma_wait3A_192 = tpu.memref_slice %arg8[%dma_wait3A_190, %dma_wait3A_191] : memref<2064x16xf32, #tpu.memory_space<hbm>> -> memref<2064x16xf32, #tpu.memory_space<hbm>>
      tpu.wait_indirect_dma semaphore(%arg20 : memref<!tpu.dma_semaphore, #tpu.memory_space<semaphore_mem>>) src(%dma_wait3A_186 : memref<128x16xf32, #tpu.memory_space<vmem>>) dst(%dma_wait3A_192 : memref<2064x16xf32, #tpu.memory_space<hbm>>)
      %dma_start3A_193 = arith.constant 8 : i32
      %dma_start3A_194 = arith.constant 1024 : i32
      %dma_start3A_195 = arith.constant 0 : i32
      %dma_start3A_196 = tpu.memref_slice %arg15[%dma_start3A_194, %dma_start3A_195] : memref<1280x16xf32, #tpu.memory_space<vmem>> -> memref<128x16xf32, #tpu.memory_space<vmem>>
      %dma_start3A_197 = arith.constant 0 : i32
      %dma_start3A_198 = tpu.memref_slice %arg16[%dma_start3A_193, %dma_start3A_197] : memref<10x128xi32, #tpu.memory_space<vmem>> -> memref<1x128xi32, #tpu.memory_space<vmem>>
      %dma_start3A_199 = tpu.memref_squeeze %dma_start3A_198 : memref<1x128xi32, #tpu.memory_space<vmem>> -> memref<128xi32, #tpu.memory_space<vmem>>
      %dma_start3A_200 = arith.constant 0 : i32
      %dma_start3A_201 = arith.constant 0 : i32
      %dma_start3A_202 = tpu.memref_slice %arg8[%dma_start3A_200, %dma_start3A_201] : memref<2064x16xf32, #tpu.memory_space<hbm>> -> memref<2064x16xf32, #tpu.memory_space<hbm>>
      tpu.enqueue_indirect_dma source(%dma_start3A_196 : memref<128x16xf32, #tpu.memory_space<vmem>>) target(%dma_start3A_202 : memref<2064x16xf32, #tpu.memory_space<hbm>>) offsets(%dma_start3A_199 : memref<128xi32, #tpu.memory_space<vmem>>) semaphore(%arg20 : memref<!tpu.dma_semaphore, #tpu.memory_space<semaphore_mem>>)
      %dma_wait3A_203 = arith.constant 8 : i32
      %dma_wait3A_204 = arith.constant 1024 : i32
      %dma_wait3A_205 = arith.constant 0 : i32
      %dma_wait3A_206 = tpu.memref_slice %arg15[%dma_wait3A_204, %dma_wait3A_205] : memref<1280x16xf32, #tpu.memory_space<vmem>> -> memref<128x16xf32, #tpu.memory_space<vmem>>
      %dma_wait3A_207 = arith.constant 0 : i32
      %dma_wait3A_208 = tpu.memref_slice %arg16[%dma_wait3A_203, %dma_wait3A_207] : memref<10x128xi32, #tpu.memory_space<vmem>> -> memref<1x128xi32, #tpu.memory_space<vmem>>
      %dma_wait3A_209 = tpu.memref_squeeze %dma_wait3A_208 : memref<1x128xi32, #tpu.memory_space<vmem>> -> memref<128xi32, #tpu.memory_space<vmem>>
      %dma_wait3A_210 = arith.constant 0 : i32
      %dma_wait3A_211 = arith.constant 0 : i32
      %dma_wait3A_212 = tpu.memref_slice %arg8[%dma_wait3A_210, %dma_wait3A_211] : memref<2064x16xf32, #tpu.memory_space<hbm>> -> memref<2064x16xf32, #tpu.memory_space<hbm>>
      tpu.wait_indirect_dma semaphore(%arg20 : memref<!tpu.dma_semaphore, #tpu.memory_space<semaphore_mem>>) src(%dma_wait3A_206 : memref<128x16xf32, #tpu.memory_space<vmem>>) dst(%dma_wait3A_212 : memref<2064x16xf32, #tpu.memory_space<hbm>>)
      %dma_start3A_213 = arith.constant 9 : i32
      %dma_start3A_214 = arith.constant 1152 : i32
      %dma_start3A_215 = arith.constant 0 : i32
      %dma_start3A_216 = tpu.memref_slice %arg15[%dma_start3A_214, %dma_start3A_215] : memref<1280x16xf32, #tpu.memory_space<vmem>> -> memref<128x16xf32, #tpu.memory_space<vmem>>
      %dma_start3A_217 = arith.constant 0 : i32
      %dma_start3A_218 = tpu.memref_slice %arg16[%dma_start3A_213, %dma_start3A_217] : memref<10x128xi32, #tpu.memory_space<vmem>> -> memref<1x128xi32, #tpu.memory_space<vmem>>
      %dma_start3A_219 = tpu.memref_squeeze %dma_start3A_218 : memref<1x128xi32, #tpu.memory_space<vmem>> -> memref<128xi32, #tpu.memory_space<vmem>>
      %dma_start3A_220 = arith.constant 0 : i32
      %dma_start3A_221 = arith.constant 0 : i32
      %dma_start3A_222 = tpu.memref_slice %arg8[%dma_start3A_220, %dma_start3A_221] : memref<2064x16xf32, #tpu.memory_space<hbm>> -> memref<2064x16xf32, #tpu.memory_space<hbm>>
      tpu.enqueue_indirect_dma source(%dma_start3A_216 : memref<128x16xf32, #tpu.memory_space<vmem>>) target(%dma_start3A_222 : memref<2064x16xf32, #tpu.memory_space<hbm>>) offsets(%dma_start3A_219 : memref<128xi32, #tpu.memory_space<vmem>>) semaphore(%arg20 : memref<!tpu.dma_semaphore, #tpu.memory_space<semaphore_mem>>)
      %dma_wait3A_223 = arith.constant 9 : i32
      %dma_wait3A_224 = arith.constant 1152 : i32
      %dma_wait3A_225 = arith.constant 0 : i32
      %dma_wait3A_226 = tpu.memref_slice %arg15[%dma_wait3A_224, %dma_wait3A_225] : memref<1280x16xf32, #tpu.memory_space<vmem>> -> memref<128x16xf32, #tpu.memory_space<vmem>>
      %dma_wait3A_227 = arith.constant 0 : i32
      %dma_wait3A_228 = tpu.memref_slice %arg16[%dma_wait3A_223, %dma_wait3A_227] : memref<10x128xi32, #tpu.memory_space<vmem>> -> memref<1x128xi32, #tpu.memory_space<vmem>>
      %dma_wait3A_229 = tpu.memref_squeeze %dma_wait3A_228 : memref<1x128xi32, #tpu.memory_space<vmem>> -> memref<128xi32, #tpu.memory_space<vmem>>
      %dma_wait3A_230 = arith.constant 0 : i32
      %dma_wait3A_231 = arith.constant 0 : i32
      %dma_wait3A_232 = tpu.memref_slice %arg8[%dma_wait3A_230, %dma_wait3A_231] : memref<2064x16xf32, #tpu.memory_space<hbm>> -> memref<2064x16xf32, #tpu.memory_space<hbm>>
      tpu.wait_indirect_dma semaphore(%arg20 : memref<!tpu.dma_semaphore, #tpu.memory_space<semaphore_mem>>) src(%dma_wait3A_226 : memref<128x16xf32, #tpu.memory_space<vmem>>) dst(%dma_wait3A_232 : memref<2064x16xf32, #tpu.memory_space<hbm>>)
    } else {
    }
    return
  }
}

module attributes {stable_mosaic.version = 14 : i64} {
  func.func @_prep_body(%arg0: memref<160x128xf32, #tpu.memory_space<vmem>>, %arg1: memref<160x128xf32, #tpu.memory_space<vmem>>, %arg2: memref<160x128xf32, #tpu.memory_space<vmem>>, %arg3: memref<160x128xf32, #tpu.memory_space<vmem>>, %arg4: memref<160x128xf32, #tpu.memory_space<vmem>>, %arg5: memref<160x128xf32, #tpu.memory_space<vmem>>, %arg6: memref<160x128xf32, #tpu.memory_space<vmem>>, %arg7: memref<160x128xf32, #tpu.memory_space<vmem>>, %arg8: memref<160x128xf32, #tpu.memory_space<vmem>>, %arg9: memref<160x128xf32, #tpu.memory_space<vmem>>, %arg10: memref<160x128xf32, #tpu.memory_space<vmem>>, %arg11: memref<160x128xf32, #tpu.memory_space<vmem>>, %arg12: memref<160x128xf32, #tpu.memory_space<vmem>>, %arg13: memref<160x128xf32, #tpu.memory_space<vmem>>, %arg14: memref<160x128xi32, #tpu.memory_space<vmem>>) attributes {dimension_semantics = [], scalar_prefetch = 0 : i64, scratch_operands = 0 : i64, tpu.core_type = #tpu.core_type<tc>} {
    %get3A = arith.constant 0 : index
    %get3A_0 = arith.constant 0 : index
    %get3A_1 = vector.load %arg0[%get3A, %get3A_0] : memref<160x128xf32, #tpu.memory_space<vmem>>, vector<160x128xf32>
    %get3A_2 = arith.constant 0 : index
    %get3A_3 = arith.constant 0 : index
    %get3A_4 = vector.load %arg1[%get3A_2, %get3A_3] : memref<160x128xf32, #tpu.memory_space<vmem>>, vector<160x128xf32>
    %get3A_5 = arith.constant 0 : index
    %get3A_6 = arith.constant 0 : index
    %get3A_7 = vector.load %arg2[%get3A_5, %get3A_6] : memref<160x128xf32, #tpu.memory_space<vmem>>, vector<160x128xf32>
    %get3A_8 = arith.constant 0 : index
    %get3A_9 = arith.constant 0 : index
    %get3A_10 = vector.load %arg3[%get3A_8, %get3A_9] : memref<160x128xf32, #tpu.memory_space<vmem>>, vector<160x128xf32>
    %get3A_11 = arith.constant 0 : index
    %get3A_12 = arith.constant 0 : index
    %get3A_13 = vector.load %arg4[%get3A_11, %get3A_12] : memref<160x128xf32, #tpu.memory_space<vmem>>, vector<160x128xf32>
    %get3A_14 = arith.constant 0 : index
    %get3A_15 = arith.constant 0 : index
    %get3A_16 = vector.load %arg5[%get3A_14, %get3A_15] : memref<160x128xf32, #tpu.memory_space<vmem>>, vector<160x128xf32>
    %get3A_17 = arith.constant 0 : index
    %get3A_18 = arith.constant 0 : index
    %get3A_19 = vector.load %arg6[%get3A_17, %get3A_18] : memref<160x128xf32, #tpu.memory_space<vmem>>, vector<160x128xf32>
    %get3A_20 = arith.constant 0 : index
    %get3A_21 = arith.constant 0 : index
    %get3A_22 = vector.load %arg7[%get3A_20, %get3A_21] : memref<160x128xf32, #tpu.memory_space<vmem>>, vector<160x128xf32>
    %get3A_23 = arith.constant 0 : index
    %get3A_24 = arith.constant 0 : index
    %get3A_25 = vector.load %arg8[%get3A_23, %get3A_24] : memref<160x128xf32, #tpu.memory_space<vmem>>, vector<160x128xf32>
    %add3A = arith.addf %get3A_1, %get3A_7 : vector<160x128xf32>
    %div3A = arith.constant 2.000000e+00 : f32
    %div3A_26 = vector.broadcast %div3A : f32 to vector<160x128xf32>
    %div3A_27 = arith.divf %add3A, %div3A_26 : vector<160x128xf32>
    %add3A_28 = arith.addf %get3A_4, %get3A_10 : vector<160x128xf32>
    %div3A_29 = arith.constant 2.000000e+00 : f32
    %div3A_30 = vector.broadcast %div3A_29 : f32 to vector<160x128xf32>
    %div3A_31 = arith.divf %add3A_28, %div3A_30 : vector<160x128xf32>
    %sub3A = arith.subf %get3A_7, %get3A_1 : vector<160x128xf32>
    %sub3A_32 = arith.subf %get3A_10, %get3A_4 : vector<160x128xf32>
    %mul3A = arith.mulf %get3A_13, %sub3A : vector<160x128xf32>
    %sub3A_33 = arith.subf %div3A_27, %mul3A : vector<160x128xf32>
    %max3A = arith.constant 0.000000e+00 : f32
    %max3A_34 = vector.broadcast %max3A : f32 to vector<160x128xf32>
    %max3A_35 = arith.maximumf %sub3A_33, %max3A_34 : vector<160x128xf32>
    %min3A = arith.constant 1.024000e+03 : f32
    %min3A_36 = vector.broadcast %min3A : f32 to vector<160x128xf32>
    %min3A_37 = arith.minimumf %max3A_35, %min3A_36 : vector<160x128xf32>
    %mul3A_38 = arith.mulf %get3A_16, %sub3A_32 : vector<160x128xf32>
    %sub3A_39 = arith.subf %div3A_31, %mul3A_38 : vector<160x128xf32>
    %max3A_40 = arith.constant 0.000000e+00 : f32
    %max3A_41 = vector.broadcast %max3A_40 : f32 to vector<160x128xf32>
    %max3A_42 = arith.maximumf %sub3A_39, %max3A_41 : vector<160x128xf32>
    %min3A_43 = arith.constant 1.024000e+03 : f32
    %min3A_44 = vector.broadcast %min3A_43 : f32 to vector<160x128xf32>
    %min3A_45 = arith.minimumf %max3A_42, %min3A_44 : vector<160x128xf32>
    %mul3A_46 = arith.mulf %get3A_19, %sub3A : vector<160x128xf32>
    %add3A_47 = arith.addf %div3A_27, %mul3A_46 : vector<160x128xf32>
    %max3A_48 = arith.constant 0.000000e+00 : f32
    %max3A_49 = vector.broadcast %max3A_48 : f32 to vector<160x128xf32>
    %max3A_50 = arith.maximumf %add3A_47, %max3A_49 : vector<160x128xf32>
    %min3A_51 = arith.constant 1.024000e+03 : f32
    %min3A_52 = vector.broadcast %min3A_51 : f32 to vector<160x128xf32>
    %min3A_53 = arith.minimumf %max3A_50, %min3A_52 : vector<160x128xf32>
    %mul3A_54 = arith.mulf %get3A_22, %sub3A_32 : vector<160x128xf32>
    %add3A_55 = arith.addf %div3A_31, %mul3A_54 : vector<160x128xf32>
    %max3A_56 = arith.constant 0.000000e+00 : f32
    %max3A_57 = vector.broadcast %max3A_56 : f32 to vector<160x128xf32>
    %max3A_58 = arith.maximumf %add3A_55, %max3A_57 : vector<160x128xf32>
    %min3A_59 = arith.constant 1.024000e+03 : f32
    %min3A_60 = vector.broadcast %min3A_59 : f32 to vector<160x128xf32>
    %min3A_61 = arith.minimumf %max3A_58, %min3A_60 : vector<160x128xf32>
    %iota3A = tpu.iota {dimensions = array<i32: 0>} : vector<160x128xi32>
    %iota3A_62 = tpu.iota {dimensions = array<i32: 1>} : vector<160x128xi32>
    %mul3A_63 = arith.constant 128 : i32
    %mul3A_64 = vector.broadcast %mul3A_63 : i32 to vector<160x128xi32>
    %mul3A_65 = arith.muli %iota3A, %mul3A_64 : vector<160x128xi32>
    %add3A_66 = arith.addi %mul3A_65, %iota3A_62 : vector<160x128xi32>
    %lt3A = arith.constant 20000 : i32
    %lt3A_67 = vector.broadcast %lt3A : i32 to vector<160x128xi32>
    %lt3A_68 = arith.cmpi slt, %add3A_66, %lt3A_67 : vector<160x128xi32>
    %sub3A_69 = arith.subf %min3A_53, %min3A_37 : vector<160x128xf32>
    %gt3A = arith.constant 0.000000e+00 : f32
    %gt3A_70 = vector.broadcast %gt3A : f32 to vector<160x128xf32>
    %gt3A_71 = arith.cmpf ogt, %sub3A_69, %gt3A_70 : vector<160x128xf32>
    %sub3A_72 = arith.subf %min3A_61, %min3A_45 : vector<160x128xf32>
    %gt3A_73 = arith.constant 0.000000e+00 : f32
    %gt3A_74 = vector.broadcast %gt3A_73 : f32 to vector<160x128xf32>
    %gt3A_75 = arith.cmpf ogt, %sub3A_72, %gt3A_74 : vector<160x128xf32>
    %and3A = arith.andi %gt3A_71, %gt3A_75 : vector<160x128xi1>
    %and3A_76 = arith.andi %and3A, %lt3A_68 : vector<160x128xi1>
    %jit3A = arith.constant -1.000000e+30 : f32
    %broadcast_in_dim3A = vector.broadcast %jit3A : f32 to vector<160x128xf32>
    %select_n3A = arith.select %and3A_76, %get3A_25, %broadcast_in_dim3A : vector<160x128xi1>, vector<160x128xf32>
    %bitcast_convert_type3A = tpu.bitcast %select_n3A : vector<160x128xf32> -> vector<160x128xi32>
    %ge3A = arith.constant 0 : i32
    %ge3A_77 = vector.broadcast %ge3A : i32 to vector<160x128xi32>
    %ge3A_78 = arith.cmpi sge, %bitcast_convert_type3A, %ge3A_77 : vector<160x128xi32>
    %sub3A_79 = arith.constant -2147483648 : i32
    %sub3A_80 = vector.broadcast %sub3A_79 : i32 to vector<160x128xi32>
    %sub3A_81 = arith.subi %sub3A_80, %bitcast_convert_type3A : vector<160x128xi32>
    %select_n3A_82 = arith.select %ge3A_78, %bitcast_convert_type3A, %sub3A_81 : vector<160x128xi1>, vector<160x128xi32>
    %scan3A = arith.constant -2147483648 : i32
    %scan3A_83 = arith.constant 2147483647 : i32
    %scan3A_84 = arith.constant 0 : i32
    %scan3A_85 = arith.constant 32 : i32
    %scan3A_86 = arith.addi %scan3A_84, %scan3A_85 : i32
    %scan3A_87 = arith.constant 1 : i32
    %scan3A_88:2 = scf.for %scan3A_131 = %scan3A_84 to %scan3A_86 step %scan3A_87 iter_args(%scan3A_132 = %scan3A, %scan3A_133 = %scan3A_83) -> (i32, i32)  : i32 {
      %shift_right_arithmetic3A = arith.constant 1 : i32
      %shift_right_arithmetic3A_134 = arith.shrsi %scan3A_132, %shift_right_arithmetic3A : i32
      %shift_right_arithmetic3A_135 = arith.constant 1 : i32
      %shift_right_arithmetic3A_136 = arith.shrsi %scan3A_133, %shift_right_arithmetic3A_135 : i32
      %add3A_137 = arith.addi %shift_right_arithmetic3A_134, %shift_right_arithmetic3A_136 : i32
      %and3A_138 = arith.andi %scan3A_132, %scan3A_133 : i32
      %and3A_139 = arith.constant 1 : i32
      %and3A_140 = arith.andi %and3A_138, %and3A_139 : i32
      %add3A_141 = arith.addi %add3A_137, %and3A_140 : i32
      %gt3A_142 = vector.broadcast %add3A_141 : i32 to vector<160x128xi32>
      %gt3A_143 = arith.cmpi sgt, %select_n3A_82, %gt3A_142 : vector<160x128xi32>
      %and3A_144 = arith.andi %lt3A_68, %gt3A_143 : vector<160x128xi1>
      %convert_element_type3A_145 = arith.extui %and3A_144 : vector<160x128xi1> to vector<160x128xi32>
      %reduce_sum3A_146 = vector.shape_cast %convert_element_type3A_145 : vector<160x128xi32> to vector<1x160x128xi32>
      %reduce_sum3A_147 = arith.constant dense<0> : vector<1xi32>
      %reduce_sum3A_148 = vector.multi_reduction <add>, %reduce_sum3A_146, %reduce_sum3A_147 [1, 2] : vector<1x160x128xi32> to vector<1xi32>
      %reduce_sum3A_149 = vector.shape_cast %reduce_sum3A_148 : vector<1xi32> to vector<1x1x1xi32>
      %reduce_sum3A_150 = vector.extract %reduce_sum3A_149[0, 0, 0] : i32 from vector<1x1x1xi32>
      %lt3A_151 = arith.constant 2000 : i32
      %lt3A_152 = arith.cmpi slt, %reduce_sum3A_150, %lt3A_151 : i32
      %lt3A_153 = arith.cmpi slt, %scan3A_132, %scan3A_133 : i32
      %not3A = arith.constant true
      %not3A_154 = arith.xori %lt3A_152, %not3A : i1
      %and3A_155 = arith.andi %lt3A_153, %not3A_154 : i1
      %add3A_156 = arith.constant 1 : i32
      %add3A_157 = arith.addi %add3A_141, %add3A_156 : i32
      %select_n3A_158 = arith.select %and3A_155, %add3A_157, %scan3A_132 : i32
      %and3A_159 = arith.andi %lt3A_153, %lt3A_152 : i1
      %select_n3A_160 = arith.select %and3A_159, %add3A_141, %scan3A_133 : i32
      scf.yield %select_n3A_158, %select_n3A_160 : i32, i32
    }
    %gt3A_89 = vector.broadcast %scan3A_88#0 : i32 to vector<160x128xi32>
    %gt3A_90 = arith.cmpi sgt, %select_n3A_82, %gt3A_89 : vector<160x128xi32>
    %and3A_91 = arith.andi %lt3A_68, %gt3A_90 : vector<160x128xi1>
    %convert_element_type3A = arith.extui %and3A_91 : vector<160x128xi1> to vector<160x128xi32>
    %reduce_sum3A = vector.shape_cast %convert_element_type3A : vector<160x128xi32> to vector<1x160x128xi32>
    %reduce_sum3A_92 = arith.constant dense<0> : vector<1xi32>
    %reduce_sum3A_93 = vector.multi_reduction <add>, %reduce_sum3A, %reduce_sum3A_92 [1, 2] : vector<1x160x128xi32> to vector<1xi32>
    %reduce_sum3A_94 = vector.shape_cast %reduce_sum3A_93 : vector<1xi32> to vector<1x1x1xi32>
    %reduce_sum3A_95 = vector.extract %reduce_sum3A_94[0, 0, 0] : i32 from vector<1x1x1xi32>
    %sub3A_96 = arith.constant 2000 : i32
    %sub3A_97 = arith.subi %sub3A_96, %reduce_sum3A_95 : i32
    %eq3A = vector.broadcast %scan3A_88#0 : i32 to vector<160x128xi32>
    %eq3A_98 = arith.cmpi eq, %select_n3A_82, %eq3A : vector<160x128xi32>
    %and3A_99 = arith.andi %lt3A_68, %eq3A_98 : vector<160x128xi1>
    %scan3A_100 = arith.constant 0 : i32
    %scan3A_101 = arith.constant 20480 : i32
    %scan3A_102 = arith.constant 0 : i32
    %scan3A_103 = arith.constant 15 : i32
    %scan3A_104 = arith.addi %scan3A_102, %scan3A_103 : i32
    %scan3A_105 = arith.constant 1 : i32
    %scan3A_106:2 = scf.for %scan3A_131 = %scan3A_102 to %scan3A_104 step %scan3A_105 iter_args(%scan3A_132 = %scan3A_100, %scan3A_133 = %scan3A_101) -> (i32, i32)  : i32 {
      %add3A_134 = arith.addi %scan3A_132, %scan3A_133 : i32
      %jit3A_135 = arith.constant 2 : i32
      %div3A_136 = arith.divsi %add3A_134, %jit3A_135 : i32
      %sign3A = arith.constant 0 : i32
      %sign3A_137 = arith.cmpi sgt, %add3A_134, %sign3A : i32
      %sign3A_138 = arith.extui %sign3A_137 : i1 to i32
      %sign3A_139 = arith.constant 0 : i32
      %sign3A_140 = arith.cmpi slt, %add3A_134, %sign3A_139 : i32
      %sign3A_141 = arith.extui %sign3A_140 : i1 to i32
      %sign3A_142 = arith.subi %sign3A_138, %sign3A_141 : i32
      %sign3A_143 = arith.constant 0 : i32
      %sign3A_144 = arith.cmpi sgt, %jit3A_135, %sign3A_143 : i32
      %sign3A_145 = arith.extui %sign3A_144 : i1 to i32
      %sign3A_146 = arith.constant 0 : i32
      %sign3A_147 = arith.cmpi slt, %jit3A_135, %sign3A_146 : i32
      %sign3A_148 = arith.extui %sign3A_147 : i1 to i32
      %sign3A_149 = arith.subi %sign3A_145, %sign3A_148 : i32
      %ne3A = arith.cmpi ne, %sign3A_142, %sign3A_149 : i32
      %rem3A = arith.remsi %add3A_134, %jit3A_135 : i32
      %ne3A_150 = arith.constant 0 : i32
      %ne3A_151 = arith.cmpi ne, %rem3A, %ne3A_150 : i32
      %and3A_152 = arith.andi %ne3A, %ne3A_151 : i1
      %sub3A_153 = arith.constant 1 : i32
      %sub3A_154 = arith.subi %div3A_136, %sub3A_153 : i32
      %select_n3A_155 = arith.select %and3A_152, %sub3A_154, %div3A_136 : i32
      %lt3A_156 = vector.broadcast %select_n3A_155 : i32 to vector<160x128xi32>
      %lt3A_157 = arith.cmpi slt, %add3A_66, %lt3A_156 : vector<160x128xi32>
      %and3A_158 = arith.andi %and3A_99, %lt3A_157 : vector<160x128xi1>
      %convert_element_type3A_159 = arith.extui %and3A_158 : vector<160x128xi1> to vector<160x128xi32>
      %reduce_sum3A_160 = vector.shape_cast %convert_element_type3A_159 : vector<160x128xi32> to vector<1x160x128xi32>
      %reduce_sum3A_161 = arith.constant dense<0> : vector<1xi32>
      %reduce_sum3A_162 = vector.multi_reduction <add>, %reduce_sum3A_160, %reduce_sum3A_161 [1, 2] : vector<1x160x128xi32> to vector<1xi32>
      %reduce_sum3A_163 = vector.shape_cast %reduce_sum3A_162 : vector<1xi32> to vector<1x1x1xi32>
      %reduce_sum3A_164 = vector.extract %reduce_sum3A_163[0, 0, 0] : i32 from vector<1x1x1xi32>
      %ge3A_165 = arith.cmpi sge, %reduce_sum3A_164, %sub3A_97 : i32
      %lt3A_166 = arith.cmpi slt, %scan3A_132, %scan3A_133 : i32
      %not3A = arith.constant true
      %not3A_167 = arith.xori %ge3A_165, %not3A : i1
      %and3A_168 = arith.andi %lt3A_166, %not3A_167 : i1
      %add3A_169 = arith.constant 1 : i32
      %add3A_170 = arith.addi %select_n3A_155, %add3A_169 : i32
      %select_n3A_171 = arith.select %and3A_168, %add3A_170, %scan3A_132 : i32
      %and3A_172 = arith.andi %lt3A_166, %ge3A_165 : i1
      %select_n3A_173 = arith.select %and3A_172, %select_n3A_155, %scan3A_133 : i32
      scf.yield %select_n3A_171, %select_n3A_173 : i32, i32
    }
    %gt3A_107 = vector.broadcast %scan3A_88#0 : i32 to vector<160x128xi32>
    %gt3A_108 = arith.cmpi sgt, %select_n3A_82, %gt3A_107 : vector<160x128xi32>
    %lt3A_109 = vector.broadcast %scan3A_106#0 : i32 to vector<160x128xi32>
    %lt3A_110 = arith.cmpi slt, %add3A_66, %lt3A_109 : vector<160x128xi32>
    %and3A_111 = arith.andi %and3A_99, %lt3A_110 : vector<160x128xi1>
    %or3A = arith.ori %gt3A_108, %and3A_111 : vector<160x128xi1>
    %and3A_112 = arith.andi %lt3A_68, %or3A : vector<160x128xi1>
    %swap3A = arith.constant 0 : index
    %swap3A_113 = arith.constant 0 : index
    %swap3A_114 = vector.load %arg9[%swap3A, %swap3A_113] : memref<160x128xf32, #tpu.memory_space<vmem>>, vector<160x128xf32>
    tpu.vector_store %arg9[%swap3A, %swap3A_113], %min3A_37 {strides = array<i32>} : memref<160x128xf32, #tpu.memory_space<vmem>>, vector<160x128xf32>,
    %swap3A_115 = arith.constant 0 : index
    %swap3A_116 = arith.constant 0 : index
    %swap3A_117 = vector.load %arg10[%swap3A_115, %swap3A_116] : memref<160x128xf32, #tpu.memory_space<vmem>>, vector<160x128xf32>
    tpu.vector_store %arg10[%swap3A_115, %swap3A_116], %min3A_45 {strides = array<i32>} : memref<160x128xf32, #tpu.memory_space<vmem>>, vector<160x128xf32>,
    %swap3A_118 = arith.constant 0 : index
    %swap3A_119 = arith.constant 0 : index
    %swap3A_120 = vector.load %arg11[%swap3A_118, %swap3A_119] : memref<160x128xf32, #tpu.memory_space<vmem>>, vector<160x128xf32>
    tpu.vector_store %arg11[%swap3A_118, %swap3A_119], %min3A_53 {strides = array<i32>} : memref<160x128xf32, #tpu.memory_space<vmem>>, vector<160x128xf32>,
    %swap3A_121 = arith.constant 0 : index
    %swap3A_122 = arith.constant 0 : index
    %swap3A_123 = vector.load %arg12[%swap3A_121, %swap3A_122] : memref<160x128xf32, #tpu.memory_space<vmem>>, vector<160x128xf32>
    tpu.vector_store %arg12[%swap3A_121, %swap3A_122], %min3A_61 {strides = array<i32>} : memref<160x128xf32, #tpu.memory_space<vmem>>, vector<160x128xf32>,
    %swap3A_124 = arith.constant 0 : index
    %swap3A_125 = arith.constant 0 : index
    %swap3A_126 = vector.load %arg13[%swap3A_124, %swap3A_125] : memref<160x128xf32, #tpu.memory_space<vmem>>, vector<160x128xf32>
    tpu.vector_store %arg13[%swap3A_124, %swap3A_125], %select_n3A {strides = array<i32>} : memref<160x128xf32, #tpu.memory_space<vmem>>, vector<160x128xf32>,
    %convert_element_type3A_127 = arith.extui %and3A_112 : vector<160x128xi1> to vector<160x128xi32>
    %swap3A_128 = arith.constant 0 : index
    %swap3A_129 = arith.constant 0 : index
    %swap3A_130 = vector.load %arg14[%swap3A_128, %swap3A_129] : memref<160x128xi32, #tpu.memory_space<vmem>>, vector<160x128xi32>
    tpu.vector_store %arg14[%swap3A_128, %swap3A_129], %convert_element_type3A_127 {strides = array<i32>} : memref<160x128xi32, #tpu.memory_space<vmem>>, vector<160x128xi32>,
    return
  }
}

module attributes {stable_mosaic.version = 14 : i64} {
  func.func @_nms_body(%arg0: memref<16x128xf32, #tpu.memory_space<vmem>>, %arg1: memref<16x128xf32, #tpu.memory_space<vmem>>, %arg2: memref<16x128xf32, #tpu.memory_space<vmem>>, %arg3: memref<16x128xf32, #tpu.memory_space<vmem>>, %arg4: memref<16x128xf32, #tpu.memory_space<vmem>>, %arg5: memref<2048x128xf32, #tpu.memory_space<vmem>>, %arg6: memref<2048x128xf32, #tpu.memory_space<vmem>>, %arg7: memref<2048x128xf32, #tpu.memory_space<vmem>>, %arg8: memref<2048x128xf32, #tpu.memory_space<vmem>>, %arg9: memref<8x128xf32, #tpu.memory_space<vmem>>, %arg10: memref<8x128xf32, #tpu.memory_space<vmem>>, %arg11: memref<8x128xf32, #tpu.memory_space<vmem>>, %arg12: memref<8x128xf32, #tpu.memory_space<vmem>>, %arg13: memref<8x128xf32, #tpu.memory_space<vmem>>, %arg14: memref<16x128xf32, #tpu.memory_space<vmem>>) attributes {dimension_semantics = [], scalar_prefetch = 0 : i64, scratch_operands = 1 : i64, tpu.core_type = #tpu.core_type<tc>} {
    %iota3A = tpu.iota {dimensions = array<i32: 0>} : vector<16x128xi32>
    %iota3A_0 = tpu.iota {dimensions = array<i32: 1>} : vector<16x128xi32>
    %mul3A = arith.constant 128 : i32
    %mul3A_1 = vector.broadcast %mul3A : i32 to vector<16x128xi32>
    %mul3A_2 = arith.muli %iota3A, %mul3A_1 : vector<16x128xi32>
    %add3A = arith.addi %mul3A_2, %iota3A_0 : vector<16x128xi32>
    %lt3A = arith.constant 2000 : i32
    %lt3A_3 = vector.broadcast %lt3A : i32 to vector<16x128xi32>
    %lt3A_4 = arith.cmpi slt, %add3A, %lt3A_3 : vector<16x128xi32>
    %get3A = arith.constant 0 : index
    %get3A_5 = arith.constant 0 : index
    %get3A_6 = vector.load %arg4[%get3A, %get3A_5] : memref<16x128xf32, #tpu.memory_space<vmem>>, vector<16x128xf32>
    %jit3A = arith.constant -1.000000e+30 : f32
    %broadcast_in_dim3A = vector.broadcast %jit3A : f32 to vector<16x128xf32>
    %select_n3A = arith.select %lt3A_4, %get3A_6, %broadcast_in_dim3A : vector<16x128xi1>, vector<16x128xf32>
    %swap3A = arith.constant 0 : index
    %swap3A_7 = arith.constant 0 : index
    %swap3A_8 = vector.load %arg14[%swap3A, %swap3A_7] : memref<16x128xf32, #tpu.memory_space<vmem>>, vector<16x128xf32>
    tpu.vector_store %arg14[%swap3A, %swap3A_7], %select_n3A {strides = array<i32>} : memref<16x128xf32, #tpu.memory_space<vmem>>, vector<16x128xf32>,
    %broadcast_in_dim3A_9 = arith.constant 0.000000e+00 : f32
    %broadcast_in_dim3A_10 = vector.broadcast %broadcast_in_dim3A_9 : f32 to vector<8x128xf32>
    %swap3A_11 = arith.constant 0 : index
    %swap3A_12 = arith.constant 0 : index
    %swap3A_13 = vector.load %arg9[%swap3A_11, %swap3A_12] : memref<8x128xf32, #tpu.memory_space<vmem>>, vector<8x128xf32>
    tpu.vector_store %arg9[%swap3A_11, %swap3A_12], %broadcast_in_dim3A_10 {strides = array<i32>} : memref<8x128xf32, #tpu.memory_space<vmem>>, vector<8x128xf32>,
    %swap3A_14 = arith.constant 0 : index
    %swap3A_15 = arith.constant 0 : index
    %swap3A_16 = vector.load %arg10[%swap3A_14, %swap3A_15] : memref<8x128xf32, #tpu.memory_space<vmem>>, vector<8x128xf32>
    tpu.vector_store %arg10[%swap3A_14, %swap3A_15], %broadcast_in_dim3A_10 {strides = array<i32>} : memref<8x128xf32, #tpu.memory_space<vmem>>, vector<8x128xf32>,
    %swap3A_17 = arith.constant 0 : index
    %swap3A_18 = arith.constant 0 : index
    %swap3A_19 = vector.load %arg11[%swap3A_17, %swap3A_18] : memref<8x128xf32, #tpu.memory_space<vmem>>, vector<8x128xf32>
    tpu.vector_store %arg11[%swap3A_17, %swap3A_18], %broadcast_in_dim3A_10 {strides = array<i32>} : memref<8x128xf32, #tpu.memory_space<vmem>>, vector<8x128xf32>,
    %swap3A_20 = arith.constant 0 : index
    %swap3A_21 = arith.constant 0 : index
    %swap3A_22 = vector.load %arg12[%swap3A_20, %swap3A_21] : memref<8x128xf32, #tpu.memory_space<vmem>>, vector<8x128xf32>
    tpu.vector_store %arg12[%swap3A_20, %swap3A_21], %broadcast_in_dim3A_10 {strides = array<i32>} : memref<8x128xf32, #tpu.memory_space<vmem>>, vector<8x128xf32>,
    %swap3A_23 = arith.constant 0 : index
    %swap3A_24 = arith.constant 0 : index
    %swap3A_25 = vector.load %arg13[%swap3A_23, %swap3A_24] : memref<8x128xf32, #tpu.memory_space<vmem>>, vector<8x128xf32>
    tpu.vector_store %arg13[%swap3A_23, %swap3A_24], %broadcast_in_dim3A_10 {strides = array<i32>} : memref<8x128xf32, #tpu.memory_space<vmem>>, vector<8x128xf32>,
    %iota3A_26 = tpu.iota {dimensions = array<i32: 0>} : vector<8x128xi32>
    %iota3A_27 = tpu.iota {dimensions = array<i32: 1>} : vector<8x128xi32>
    %mul3A_28 = arith.constant 128 : i32
    %mul3A_29 = vector.broadcast %mul3A_28 : i32 to vector<8x128xi32>
    %mul3A_30 = arith.muli %iota3A_26, %mul3A_29 : vector<8x128xi32>
    %add3A_31 = arith.addi %mul3A_30, %iota3A_27 : vector<8x128xi32>
    %iota3A_32 = tpu.iota {dimensions = array<i32: 1>} : vector<1x128xi32>
    %get3A_33 = arith.constant 0 : index
    %get3A_34 = arith.constant 0 : index
    %get3A_35 = vector.load %arg0[%get3A_33, %get3A_34] : memref<16x128xf32, #tpu.memory_space<vmem>>, vector<16x128xf32>
    %get3A_36 = arith.constant 0 : index
    %get3A_37 = arith.constant 0 : index
    %get3A_38 = vector.load %arg1[%get3A_36, %get3A_37] : memref<16x128xf32, #tpu.memory_space<vmem>>, vector<16x128xf32>
    %get3A_39 = arith.constant 0 : index
    %get3A_40 = arith.constant 0 : index
    %get3A_41 = vector.load %arg2[%get3A_39, %get3A_40] : memref<16x128xf32, #tpu.memory_space<vmem>>, vector<16x128xf32>
    %get3A_42 = arith.constant 0 : index
    %get3A_43 = arith.constant 0 : index
    %get3A_44 = vector.load %arg3[%get3A_42, %get3A_43] : memref<16x128xf32, #tpu.memory_space<vmem>>, vector<16x128xf32>
    %sub3A = arith.subf %get3A_41, %get3A_35 : vector<16x128xf32>
    %sub3A_45 = arith.subf %get3A_44, %get3A_38 : vector<16x128xf32>
    %mul3A_46 = arith.mulf %sub3A, %sub3A_45 : vector<16x128xf32>
    %scan3A = arith.constant 0 : i32
    %scan3A_47 = arith.constant 1000 : i32
    %scan3A_48 = arith.addi %scan3A, %scan3A_47 : i32
    %scan3A_49 = arith.constant 1 : i32
    scf.for %scan3A_51 = %scan3A to %scan3A_48 step %scan3A_49  : i32 {
      %get3A_52 = arith.constant 0 : index
      %get3A_53 = arith.constant 0 : index
      %get3A_54 = vector.load %arg14[%get3A_52, %get3A_53] : memref<16x128xf32, #tpu.memory_space<vmem>>, vector<16x128xf32>
      %reduce_max3A = arith.constant dense<0xFF800000> : vector<128xf32>
      %reduce_max3A_55 = vector.multi_reduction <maximumf>, %get3A_54, %reduce_max3A [0] : vector<16x128xf32> to vector<128xf32>
      %broadcast_in_dim3A_56 = vector.shape_cast %reduce_max3A_55 : vector<128xf32> to vector<1x128xf32>
      %reduce_max3A_57 = vector.shape_cast %broadcast_in_dim3A_56 : vector<1x128xf32> to vector<1x1x128xf32>
      %reduce_max3A_58 = arith.constant dense<0xFF800000> : vector<1xf32>
      %reduce_max3A_59 = vector.multi_reduction <maximumf>, %reduce_max3A_57, %reduce_max3A_58 [1, 2] : vector<1x1x128xf32> to vector<1xf32>
      %reduce_max3A_60 = vector.shape_cast %reduce_max3A_59 : vector<1xf32> to vector<1x1x1xf32>
      %reduce_max3A_61 = vector.extract %reduce_max3A_60[0, 0, 0] : f32 from vector<1x1x1xf32>
      %eq3A = vector.broadcast %reduce_max3A_61 : f32 to vector<16x128xf32>
      %eq3A_62 = arith.cmpf oeq, %get3A_54, %eq3A : vector<16x128xf32>
      %jit3A_63 = arith.constant 16 : i32
      %broadcast_in_dim3A_64 = vector.broadcast %jit3A_63 : i32 to vector<16x128xi32>
      %select_n3A_65 = arith.select %eq3A_62, %iota3A, %broadcast_in_dim3A_64 : vector<16x128xi1>, vector<16x128xi32>
      %reduce_min3A = arith.constant dense<2147483647> : vector<128xi32>
      %reduce_min3A_66 = vector.multi_reduction <minsi>, %select_n3A_65, %reduce_min3A [0] : vector<16x128xi32> to vector<128xi32>
      %broadcast_in_dim3A_67 = vector.shape_cast %reduce_min3A_66 : vector<128xi32> to vector<1x128xi32>
      %eq3A_68 = vector.broadcast %reduce_max3A_61 : f32 to vector<1x128xf32>
      %eq3A_69 = arith.cmpf oeq, %broadcast_in_dim3A_56, %eq3A_68 : vector<1x128xf32>
      %mul3A_70 = arith.constant 128 : i32
      %mul3A_71 = vector.broadcast %mul3A_70 : i32 to vector<1x128xi32>
      %mul3A_72 = arith.muli %broadcast_in_dim3A_67, %mul3A_71 : vector<1x128xi32>
      %add3A_73 = arith.addi %mul3A_72, %iota3A_32 : vector<1x128xi32>
      %jit3A_74 = arith.constant 2048 : i32
      %broadcast_in_dim3A_75 = vector.broadcast %jit3A_74 : i32 to vector<1x128xi32>
      %select_n3A_76 = arith.select %eq3A_69, %add3A_73, %broadcast_in_dim3A_75 : vector<1x128xi1>, vector<1x128xi32>
      %reduce_min3A_77 = vector.shape_cast %select_n3A_76 : vector<1x128xi32> to vector<1x1x128xi32>
      %reduce_min3A_78 = arith.constant dense<2147483647> : vector<1xi32>
      %reduce_min3A_79 = vector.multi_reduction <minsi>, %reduce_min3A_77, %reduce_min3A_78 [1, 2] : vector<1x1x128xi32> to vector<1xi32>
      %reduce_min3A_80 = vector.shape_cast %reduce_min3A_79 : vector<1xi32> to vector<1x1x1xi32>
      %reduce_min3A_81 = vector.extract %reduce_min3A_80[0, 0, 0] : i32 from vector<1x1x1xi32>
      %get3A_82 = arith.index_cast %reduce_min3A_81 : i32 to index
      %get3A_83 = arith.constant 0 : index
      %get3A_84 = vector.load %arg5[%get3A_82, %get3A_83] : memref<2048x128xf32, #tpu.memory_space<vmem>>, vector<1x128xf32>
      %get3A_85 = arith.index_cast %reduce_min3A_81 : i32 to index
      %get3A_86 = arith.constant 0 : index
      %get3A_87 = vector.load %arg6[%get3A_85, %get3A_86] : memref<2048x128xf32, #tpu.memory_space<vmem>>, vector<1x128xf32>
      %get3A_88 = arith.index_cast %reduce_min3A_81 : i32 to index
      %get3A_89 = arith.constant 0 : index
      %get3A_90 = vector.load %arg7[%get3A_88, %get3A_89] : memref<2048x128xf32, #tpu.memory_space<vmem>>, vector<1x128xf32>
      %get3A_91 = arith.index_cast %reduce_min3A_81 : i32 to index
      %get3A_92 = arith.constant 0 : index
      %get3A_93 = vector.load %arg8[%get3A_91, %get3A_92] : memref<2048x128xf32, #tpu.memory_space<vmem>>, vector<1x128xf32>
      %max3A = vector.broadcast %get3A_84 : vector<1x128xf32> to vector<16x128xf32>
      %max3A_94 = arith.maximumf %max3A, %get3A_35 : vector<16x128xf32>
      %max3A_95 = vector.broadcast %get3A_87 : vector<1x128xf32> to vector<16x128xf32>
      %max3A_96 = arith.maximumf %max3A_95, %get3A_38 : vector<16x128xf32>
      %min3A = vector.broadcast %get3A_90 : vector<1x128xf32> to vector<16x128xf32>
      %min3A_97 = arith.minimumf %min3A, %get3A_41 : vector<16x128xf32>
      %min3A_98 = vector.broadcast %get3A_93 : vector<1x128xf32> to vector<16x128xf32>
      %min3A_99 = arith.minimumf %min3A_98, %get3A_44 : vector<16x128xf32>
      %sub3A_100 = arith.subf %min3A_97, %max3A_94 : vector<16x128xf32>
      %max3A_101 = arith.constant 0.000000e+00 : f32
      %max3A_102 = vector.broadcast %max3A_101 : f32 to vector<16x128xf32>
      %max3A_103 = arith.maximumf %sub3A_100, %max3A_102 : vector<16x128xf32>
      %sub3A_104 = arith.subf %min3A_99, %max3A_96 : vector<16x128xf32>
      %max3A_105 = arith.constant 0.000000e+00 : f32
      %max3A_106 = vector.broadcast %max3A_105 : f32 to vector<16x128xf32>
      %max3A_107 = arith.maximumf %sub3A_104, %max3A_106 : vector<16x128xf32>
      %mul3A_108 = arith.mulf %max3A_103, %max3A_107 : vector<16x128xf32>
      %sub3A_109 = arith.subf %get3A_90, %get3A_84 : vector<1x128xf32>
      %sub3A_110 = arith.subf %get3A_93, %get3A_87 : vector<1x128xf32>
      %mul3A_111 = arith.mulf %sub3A_109, %sub3A_110 : vector<1x128xf32>
      %add3A_112 = vector.broadcast %mul3A_111 : vector<1x128xf32> to vector<16x128xf32>
      %add3A_113 = arith.addf %add3A_112, %mul3A_46 : vector<16x128xf32>
      %sub3A_114 = arith.subf %add3A_113, %mul3A_108 : vector<16x128xf32>
      %max3A_115 = arith.constant 9.99999997E-7 : f32
      %max3A_116 = vector.broadcast %max3A_115 : f32 to vector<16x128xf32>
      %max3A_117 = arith.maximumf %sub3A_114, %max3A_116 : vector<16x128xf32>
      %div3A = arith.divf %mul3A_108, %max3A_117 : vector<16x128xf32>
      %ge3A = arith.constant 0.699999988 : f32
      %ge3A_118 = vector.broadcast %ge3A : f32 to vector<16x128xf32>
      %ge3A_119 = arith.cmpf oge, %div3A, %ge3A_118 : vector<16x128xf32>
      %eq3A_120 = vector.broadcast %reduce_min3A_81 : i32 to vector<16x128xi32>
      %eq3A_121 = arith.cmpi eq, %add3A, %eq3A_120 : vector<16x128xi32>
      %or3A = arith.ori %ge3A_119, %eq3A_121 : vector<16x128xi1>
      %jit3A_122 = arith.constant -1.000000e+30 : f32
      %broadcast_in_dim3A_123 = vector.broadcast %jit3A_122 : f32 to vector<16x128xf32>
      %select_n3A_124 = arith.select %or3A, %broadcast_in_dim3A_123, %get3A_54 : vector<16x128xi1>, vector<16x128xf32>
      %swap3A_125 = arith.constant 0 : index
      %swap3A_126 = arith.constant 0 : index
      %swap3A_127 = vector.load %arg14[%swap3A_125, %swap3A_126] : memref<16x128xf32, #tpu.memory_space<vmem>>, vector<16x128xf32>
      tpu.vector_store %arg14[%swap3A_125, %swap3A_126], %select_n3A_124 {strides = array<i32>} : memref<16x128xf32, #tpu.memory_space<vmem>>, vector<16x128xf32>,
      %gt3A = arith.constant -5.000000e+29 : f32
      %gt3A_128 = arith.cmpf ogt, %reduce_max3A_61, %gt3A : f32
      %eq3A_129 = vector.broadcast %scan3A_51 : i32 to vector<8x128xi32>
      %eq3A_130 = arith.cmpi eq, %add3A_31, %eq3A_129 : vector<8x128xi32>
      %jit3A_131 = arith.constant 0.000000e+00 : f32
      %broadcast_in_dim3A_132 = vector.broadcast %jit3A_131 : f32 to vector<1x128xf32>
      %select_n3A_133 = arith.select %gt3A_128, %get3A_84, %broadcast_in_dim3A_132 : vector<1x128xf32>
      %get3A_134 = arith.constant 0 : index
      %get3A_135 = arith.constant 0 : index
      %get3A_136 = vector.load %arg9[%get3A_134, %get3A_135] : memref<8x128xf32, #tpu.memory_space<vmem>>, vector<8x128xf32>
      %broadcast_in_dim3A_137 = vector.shape_cast %select_n3A_133 : vector<1x128xf32> to vector<1x128xf32>
      %broadcast_in_dim3A_138 = vector.broadcast %broadcast_in_dim3A_137 : vector<1x128xf32> to vector<8x128xf32>
      %select_n3A_139 = arith.select %eq3A_130, %broadcast_in_dim3A_138, %get3A_136 : vector<8x128xi1>, vector<8x128xf32>
      %swap3A_140 = arith.constant 0 : index
      %swap3A_141 = arith.constant 0 : index
      %swap3A_142 = vector.load %arg9[%swap3A_140, %swap3A_141] : memref<8x128xf32, #tpu.memory_space<vmem>>, vector<8x128xf32>
      tpu.vector_store %arg9[%swap3A_140, %swap3A_141], %select_n3A_139 {strides = array<i32>} : memref<8x128xf32, #tpu.memory_space<vmem>>, vector<8x128xf32>,
      %jit3A_143 = arith.constant 0.000000e+00 : f32
      %broadcast_in_dim3A_144 = vector.broadcast %jit3A_143 : f32 to vector<1x128xf32>
      %select_n3A_145 = arith.select %gt3A_128, %get3A_87, %broadcast_in_dim3A_144 : vector<1x128xf32>
      %get3A_146 = arith.constant 0 : index
      %get3A_147 = arith.constant 0 : index
      %get3A_148 = vector.load %arg10[%get3A_146, %get3A_147] : memref<8x128xf32, #tpu.memory_space<vmem>>, vector<8x128xf32>
      %broadcast_in_dim3A_149 = vector.shape_cast %select_n3A_145 : vector<1x128xf32> to vector<1x128xf32>
      %broadcast_in_dim3A_150 = vector.broadcast %broadcast_in_dim3A_149 : vector<1x128xf32> to vector<8x128xf32>
      %select_n3A_151 = arith.select %eq3A_130, %broadcast_in_dim3A_150, %get3A_148 : vector<8x128xi1>, vector<8x128xf32>
      %swap3A_152 = arith.constant 0 : index
      %swap3A_153 = arith.constant 0 : index
      %swap3A_154 = vector.load %arg10[%swap3A_152, %swap3A_153] : memref<8x128xf32, #tpu.memory_space<vmem>>, vector<8x128xf32>
      tpu.vector_store %arg10[%swap3A_152, %swap3A_153], %select_n3A_151 {strides = array<i32>} : memref<8x128xf32, #tpu.memory_space<vmem>>, vector<8x128xf32>,
      %jit3A_155 = arith.constant 0.000000e+00 : f32
      %broadcast_in_dim3A_156 = vector.broadcast %jit3A_155 : f32 to vector<1x128xf32>
      %select_n3A_157 = arith.select %gt3A_128, %get3A_90, %broadcast_in_dim3A_156 : vector<1x128xf32>
      %get3A_158 = arith.constant 0 : index
      %get3A_159 = arith.constant 0 : index
      %get3A_160 = vector.load %arg11[%get3A_158, %get3A_159] : memref<8x128xf32, #tpu.memory_space<vmem>>, vector<8x128xf32>
      %broadcast_in_dim3A_161 = vector.shape_cast %select_n3A_157 : vector<1x128xf32> to vector<1x128xf32>
      %broadcast_in_dim3A_162 = vector.broadcast %broadcast_in_dim3A_161 : vector<1x128xf32> to vector<8x128xf32>
      %select_n3A_163 = arith.select %eq3A_130, %broadcast_in_dim3A_162, %get3A_160 : vector<8x128xi1>, vector<8x128xf32>
      %swap3A_164 = arith.constant 0 : index
      %swap3A_165 = arith.constant 0 : index
      %swap3A_166 = vector.load %arg11[%swap3A_164, %swap3A_165] : memref<8x128xf32, #tpu.memory_space<vmem>>, vector<8x128xf32>
      tpu.vector_store %arg11[%swap3A_164, %swap3A_165], %select_n3A_163 {strides = array<i32>} : memref<8x128xf32, #tpu.memory_space<vmem>>, vector<8x128xf32>,
      %jit3A_167 = arith.constant 0.000000e+00 : f32
      %broadcast_in_dim3A_168 = vector.broadcast %jit3A_167 : f32 to vector<1x128xf32>
      %select_n3A_169 = arith.select %gt3A_128, %get3A_93, %broadcast_in_dim3A_168 : vector<1x128xf32>
      %get3A_170 = arith.constant 0 : index
      %get3A_171 = arith.constant 0 : index
      %get3A_172 = vector.load %arg12[%get3A_170, %get3A_171] : memref<8x128xf32, #tpu.memory_space<vmem>>, vector<8x128xf32>
      %broadcast_in_dim3A_173 = vector.shape_cast %select_n3A_169 : vector<1x128xf32> to vector<1x128xf32>
      %broadcast_in_dim3A_174 = vector.broadcast %broadcast_in_dim3A_173 : vector<1x128xf32> to vector<8x128xf32>
      %select_n3A_175 = arith.select %eq3A_130, %broadcast_in_dim3A_174, %get3A_172 : vector<8x128xi1>, vector<8x128xf32>
      %swap3A_176 = arith.constant 0 : index
      %swap3A_177 = arith.constant 0 : index
      %swap3A_178 = vector.load %arg12[%swap3A_176, %swap3A_177] : memref<8x128xf32, #tpu.memory_space<vmem>>, vector<8x128xf32>
      tpu.vector_store %arg12[%swap3A_176, %swap3A_177], %select_n3A_175 {strides = array<i32>} : memref<8x128xf32, #tpu.memory_space<vmem>>, vector<8x128xf32>,
      %jit3A_179 = arith.constant 0.000000e+00 : f32
      %select_n3A_180 = arith.select %gt3A_128, %reduce_max3A_61, %jit3A_179 : f32
      %get3A_181 = arith.constant 0 : index
      %get3A_182 = arith.constant 0 : index
      %get3A_183 = vector.load %arg13[%get3A_181, %get3A_182] : memref<8x128xf32, #tpu.memory_space<vmem>>, vector<8x128xf32>
      %broadcast_in_dim3A_184 = vector.broadcast %select_n3A_180 : f32 to vector<8x128xf32>
      %select_n3A_185 = arith.select %eq3A_130, %broadcast_in_dim3A_184, %get3A_183 : vector<8x128xi1>, vector<8x128xf32>
      %swap3A_186 = arith.constant 0 : index
      %swap3A_187 = arith.constant 0 : index
      %swap3A_188 = vector.load %arg13[%swap3A_186, %swap3A_187] : memref<8x128xf32, #tpu.memory_space<vmem>>, vector<8x128xf32>
      tpu.vector_store %arg13[%swap3A_186, %swap3A_187], %select_n3A_185 {strides = array<i32>} : memref<8x128xf32, #tpu.memory_space<vmem>>, vector<8x128xf32>,
    }
    %scan3A_50 = arith.constant 1000 : i32
    return
  }
}

</mosaic_0001>

<sc_bundles>
// kernel: kernel.5.cloned.1.call-start
scs
__scs_entry_jumppad:
0x0: {  	(pc) =	sbr.rel $0x88, $3  }
0x1: {  	(tag) =	ssettag $0x0;
	lr =	simm.s32 $0x1  }
0x2: {  	[smem:$0x3F9E] =	sst lr;
	_ =	strace $0xD0000000  }
0x3: {  	_ = 	snop  }
0x4: {  	_ = 	snop  }
0x5: {  	_ = 	snop  }
0x6: {  	_ = 	snop  }
0x7: {  	_ = 	snop  }
__scs_overlays_trampoline_lowered:
0x8: {  	[smem:$0x3FAD] =	sst s0  }
0x9: {  	[smem:$0x3FAE] =	sst s1  }
0xa: {  	[smem:$0x3FAF] =	sst s2  }
0xb: {  	[smem:$0x3FB0] =	sst s3  }
0xc: {  	[smem:$0x3FB1] =	sst s4  }
0xd: {  	[smem:$0x3FB2] =	sst s5  }
0xe: {  	[smem:$0x3FB3] =	sst s6  }
0xf: {  	[smem:$0x3FB4] =	sst s7  }
0x10: {  	[smem:$0x3FB5] =	sst s8  }
0x11: {  	[smem:$0x3FB6] =	sst s9;
	s0 =	simm.s32 @!p0 $0x0  }
0x12: {  	s1 =	sld [smem:$0x3F9C];
	s0 =	simm.s32 @p0 $0x1  }
0x13: {  	[smem:$0x3FB7] =	sst s0;
	s0 =	simm.s32 @!p1 $0x0  }
0x14: {  	s2 =	sld [smem:$0x3F9B];
	s0 =	simm.s32 @p1 $0x1  }
0x15: {  	[smem:$0x3FB8] =	sst s0;
	s0 =	simm.s32 @!p2 $0x0  }
0x16: {  	s3 =	sld [smem:$0x3FDB];
	s0 =	simm.s32 @p2 $0x1  }
0x17: {  	s4 =	simm.s32 $0x1BF5;
	[smem:$0x3FBA] =	sst s0  }
0x18: {  	s0 =	sld [smem:$0x3F9D];
	_ =	swait.ge [sflag:s4], $0x0  }
0x19: {  	s7 =	sld [smem:$0x3F9E]  }
0x1a: {  	s8 =	sadd.s32 $0xFFFFE003, lr  }
0x1b: {  	s9 =	sadd.s32 $0xFFFFFEF7, lr;
	s5 =	simm.s32 $0xFFFFFFFF;
	p2 =	slt.u32 s8, $0xFFFFF086  }
0x1c: {  	p1 =	slt.u32 s9, $0xF7A;
	s5 =	simm.s32 @!p2 $0x0  }
0x1d: {  	s5 =	simm.s32 @p1 $0x1;
	p0 =	seq.s32 s7, s2  }
0x1e: {  	s7 =	smul.u32 @!p0 $0xF7A, s2;
	p2 =	seq.s32 @!p0 s5, $0x0  }
0x1f: {  	s9 =	smul.u32 $0xF7A, s1;
	s8 =	simm.s32 @!p0 $0x1BF5;
	p2 =	por !p2, p0  }
0x20: {  	[sflag:s8] =	ssyncset.s32 @!p0 $0xFFFFF086;
	s6 =	sadd.s32 @!p0 s3, s7;
	s7 =	simm.s32 @!p0 $0x108  }
0x21: {  	s3 =	sadd.s32 s3, s9;
	s6 =	sadd.s32 @!p0 $0x88, s6;
	s7 =	simm.s32 @p2 $0x1082  }
0x22: {  	[simem:s7], [sflag:s8] =	dma.local @!p0 [hbm:s6], $0xF7A  }
0x23: {  	s9 =	sor.u32 $0xD0000000, s2;
	s6 =	simm.s32 $0x108;
	_ =	swait.ge @!p0 [sflag:s8], $0x0  }
0x24: {  	s3 =	sadd.s32 $0x88, s3;
	s6 =	simm.s32 @!p1 $0x1082;
	[sflag:s4] =	ssyncset.s32 $0xFFFFF086  }
0x25: {  	[simem:s6], [sflag:s4] =	dma.local [hbm:s3], $0xF7A  }
0x26: {  	[smem:$0x3F9E] =	sst s1;
	(tag) =	ssettag s2;
	_ =	strace s9  }
0x27: {  	s1 =	sld [smem:$0x3FAE]  }
0x28: {  	s2 =	sld [smem:$0x3FAF]  }
0x29: {  	s4 =	sld [smem:$0x3FB1]  }
0x2a: {  	p0 =	seq.s32 s5, $0x0;
	s5 =	sld [smem:$0x3FB2]  }
0x2b: {  	s6 =	sld [smem:$0x3FB3]  }
0x2c: {  	s7 =	sld [smem:$0x3FB4]  }
0x2d: {  	s3 =	simm.s32 $0x108;
	s8 =	sld [smem:$0x3FB5]  }
0x2e: {  	s3 =	simm.s32 @!p0 $0x1082;
	s9 =	sld [smem:$0x3FB6]  }
0x2f: {  	lr =	sadd.s32 s0, s3;
	s0 =	sld [smem:$0x3FAD]  }
0x30: {  	s3 =	sld [smem:$0x3FB0]  }
0x31: {  	[smem:$0x3FB9] =	sst s10  }
0x32: {  	s10 =	sld [smem:$0x3FB7];
	_ =	sdelay $0x3  }
0x33: {  	p0 =	seq.s32 s10, $0x1;
	s10 =	sld [smem:$0x3FB9];
	_ =	sdelay $0x3  }
0x34: {  	[smem:$0x3FB9] =	sst s10  }
0x35: {  	s10 =	sld [smem:$0x3FB8];
	_ =	sdelay $0x3  }
0x36: {  	p1 =	seq.s32 s10, $0x1;
	s10 =	sld [smem:$0x3FB9];
	_ =	sdelay $0x3  }
0x37: {  	[smem:$0x3FB9] =	sst s10  }
0x38: {  	s10 =	sld [smem:$0x3FBA]  }
0x39: {  	_ = 	snop;
	(pc) =	sbr.ind lr, $3  }
0x3a: {  	_ = 	snop  }
0x3b: {  	_ = 	snop  }
0x3c: {  	p2 =	seq.s32 s10, $0x1;
	s10 =	sld [smem:$0x3FB9]  }
0x3d: {  	_ =	shalt  }
0x3e: {  	_ =	shalt  }
0x3f: {  	_ =	shalt  }
0x40: {  	_ =	shalt  }
0x41: {  	_ =	shalt  }
0x42: {  	_ =	shalt  }
0x43: {  	_ =	shalt  }
0x44: {  	_ =	shalt  }
0x45: {  	_ =	shalt  }
0x46: {  	_ =	shalt  }
0x47: {  	_ =	shalt  }
0x48: {  	_ =	shalt  }
0x49: {  	_ =	shalt  }
0x4a: {  	_ =	shalt  }
0x4b: {  	_ =	shalt  }
0x4c: {  	_ =	shalt  }
0x4d: {  	_ =	shalt  }
0x4e: {  	_ =	shalt  }
0x4f: {  	_ =	shalt  }
0x50: {  	_ =	shalt  }
0x51: {  	_ =	shalt  }
0x52: {  	_ =	shalt  }
0x53: {  	_ =	shalt  }
0x54: {  	_ =	shalt  }
0x55: {  	_ =	shalt  }
0x56: {  	_ =	shalt  }
0x57: {  	_ =	shalt  }
0x58: {  	_ =	shalt  }
0x59: {  	_ =	shalt  }
0x5a: {  	_ =	shalt  }
0x5b: {  	_ =	shalt  }
0x5c: {  	_ =	shalt  }
0x5d: {  	_ =	shalt  }
0x5e: {  	_ =	shalt  }
0x5f: {  	_ =	shalt  }
0x60: {  	_ =	shalt  }
0x61: {  	_ =	shalt  }
0x62: {  	_ =	shalt  }
0x63: {  	_ =	shalt  }
0x64: {  	_ =	shalt  }
0x65: {  	_ =	shalt  }
0x66: {  	_ =	shalt  }
0x67: {  	_ =	shalt  }
0x68: {  	_ =	shalt  }
0x69: {  	_ =	shalt  }
0x6a: {  	_ =	shalt  }
0x6b: {  	_ =	shalt  }
0x6c: {  	_ =	shalt  }
0x6d: {  	_ =	shalt  }
0x6e: {  	_ =	shalt  }
0x6f: {  	_ =	shalt  }
0x70: {  	_ =	shalt  }
0x71: {  	_ =	shalt  }
0x72: {  	_ =	shalt  }
0x73: {  	_ =	shalt  }
0x74: {  	_ =	shalt  }
0x75: {  	_ =	shalt  }
0x76: {  	_ =	shalt  }
0x77: {  	_ =	shalt  }
0x78: {  	_ =	shalt  }
0x79: {  	_ =	shalt  }
0x7a: {  	_ =	shalt  }
0x7b: {  	_ =	shalt  }
0x7c: {  	_ =	shalt  }
0x7d: {  	_ =	shalt  }
0x7e: {  	_ =	shalt  }
0x7f: {  	_ =	shalt  }
0x80: {  	_ =	shalt  }
0x81: {  	_ =	shalt  }
0x82: {  	_ =	shalt  }
0x83: {  	_ =	shalt  }
0x84: {  	_ =	shalt  }
0x85: {  	_ =	shalt  }
0x86: {  	_ =	shalt  }
0x87: {  	_ =	shalt  }
.Lfunc_end0:
.L_simem_size_0:
called_computation_lowered:
.L_overlay_start_0:
0x88: {  	s2 =	sld [smem:$0x3FD9]  }
0x89: {  	s3 =	sld [smem:$0x3FFE];
	_ =	sdelay $0x1  }
0x8a: {  	s1 =	srdreg.scid  }
0x8b: {  	s0 =	sand.u32 $0x1, s1  }
0x8c: {  	s16 =	sshll.u32 s0, $0xA;
	s2 =	sadd.s32 s3, s2  }
0x8d: {  	s2 =	sadd.s32 s2, s16  }
0x8e: {  	[smem:$0x3FC5] =	sst s2  }
0x8f: {  	_ = 	snop  }
0x90: {  	(tm) =	ssettm $0x1  }
0x91: {  	s17 =	sld [smem:$0x3FFB];
	_ =	sdelay $0x3  }
0x92: {  	_ =	strace s17  }
0x93: {  	s2 =	sld [smem:$0x3FFC];
	_ =	sdelay $0x3  }
0x94: {  	_ =	strace s2  }
0x95: {  	s2 =	sld [smem:$0x3FFD];
	_ =	sdelay $0x3  }
0x96: {  	_ =	strace s2  }
0x97: {  	_ =	strace $0x8FFFFFFF  }
0x98: {  	s18 =	sld [smem:$0x3FDB];
	_ =	sdelay $0x1  }
0x99: {  	s19 =	simm.s32 $_scs_section_size  }
0x9a: {  	s4 =	simm.s32 $_size__tile_overlayer_lowered;
	s5 =	simm.s32 $_tile_overlayer_lowered  }
0x9b: {  	s22 =	simm.s32 $0x1BFF;
	s21 =	sshll.u32 s5, $0x1;
	s2 =	sadd.s32 s19, s18  }
0x9c: {  	s6 =	simm.s32 $0x0;
	s20 =	sshll.u32 s4, $0x1;
	s4 =	sadd.s32 s21, s2  }
0x9d: {  	[timem:s6], [sflag:s22] =	dma.local [hbm:s4], s20  }
0x9e: {  	_ =	swait.ge [sflag:s22], s20  }
0x9f: {  	s3 =	ssub.s32 $0x0, s20;
	[sflag:s22] =	ssyncset.done $0x0  }
0xa0: {  	[sflag:s22] =	ssyncadd.s32 s3;
	_ =	sdelay $0x1  }
0xa1: {  	s23 =	simm.s32 $0x1B8B  }
0xa2: {  	_ =	swait.ge [sflag:s23], $0x1  }
0xa3: {  	[sflag:s23] =	ssyncset.done $0x0  }
0xa4: {  	s25 =	simm.s32 $0x1B8E;
	s24 =	sld [smem:$0x3FFE];
	[sflag:s23] =	ssyncadd.s32 $0xFFFFFFFF  }
0xa5: {  	s26 =	simm.s32 $execute0_lowered;
	[smem:$0x3FD2] =	sst s25  }
0xa6: {  	s4 =	sshll.u32 s26, $0x1;
	_ =	strace $0x80000046;
	[dreg:$0x1] =	wrdreg $0xFFFFFFFF  }
0xa7: {  	s28 =	simm.s32 $_size_execute0_lowered;
	s2 =	sadd.s32 s2, s4;
	[dreg:$0x0] =	wrdreg $0x0  }
0xa8: {  	s4 =	sshll.u32 s28, $0x1;
	[dreg:$0x2] =	wrdreg s2  }
0xa9: {  	[dreg:$0x3] =	wrdreg s4  }
0xaa: {  	[dreg:$0x4] =	wrdreg $0xC0  }
0xab: {  	_ =	task [dreg:s6], $0x5FFFF  }
0xac: {  	[dreg:$0x1] =	wrdreg $0xFFFFFFFF  }
0xad: {  	[dreg:$0x0] =	wrdreg $0x60  }
0xae: {  	[dreg:$0x2] =	wrdreg s24  }
0xaf: {  	[dreg:$0x3] =	wrdreg $0x74100  }
0xb0: {  	[dreg:$0x4] =	wrdreg $0x9  }
0xb1: {  	_ =	task.clear_ibuf [dreg:s6], $0x5FFFF;
	_ =	strace $0x90000046  }
0xb2: {  	s29 =	simm.s32 $0x9;
	_ =	strace $0x80000048  }
0xb3: {  	_ =	swait.ge [sflag:s29], $0x1  }
0xb4: {  	[sflag:s29] =	ssyncadd.s32 $0xFFFFFFFF  }
0xb5: {  	_ =	strace $0x90000048  }
0xb6: {  	_ =	sfence  }
0xb7: {  	s30 =	sld [smem:$0x0];
	_ =	sdelay $0x2  }
0xb8: {  	s31 =	sshll.u32 s1, $0xD;
	s1 =	sshrl.u32 s1, $0x2  }
0xb9: {  	s3 =	sand.u32 $0x4000, s31;
	s1 =	sadd.s32 s1, s30  }
0xba: {  	s0 =	sor.u32 s3, s0;
	s1 =	sshll.u32 s1, $0x11  }
0xbb: {  	s0 =	sor.u32 s1, s0  }
0xbc: {  	s0 =	sadd.s32 $0x8F2B, s0  }
0xbd: {  	[sflag:s0] =	ssyncadd.remote.s32 $0x1  }
0xbe: {  	_ =	sfence.sel $0xFFFF  }
0xbf: {  	[dreg:$0x0] =	wrdreg $0xFFFFFFFF;
	(pc) =	sbr.abs _section_cstart, $3  }
0xc0: {  	[dreg:$0x1] =	wrdreg $0xFFFFFFFF  }
0xc1: {  	_ =	task.clear_ibuf [dreg:s6], $0x2FFFF;
	_ =	strace $0x9FFFFFFF  }
0xc2: {  	(tm) =	ssettm $0x7FFFFFFF  }
0xc3: {  	_ =	shalt  }
tec
execute0_lowered:
.L_overlay_start_1:
0x0: {  	(tag) =	ssettag $0x1  }
0x1: {  	s1 =	srdreg.scid  }
0x2: {  	s1 =	sand.u32 $0x1, s1  }
0x3: {  	p0 =	seq.s32 s1, $0x1  }
.Ltmp0:
0x4: {  	_ = 	snop;
	(pc) =	sbr.rel @p0 .LBB2_6-.Ltmp0, $4  }
0x5: {  	s2 =	rddreg [dreg:$0x0]  }
0x6: {  	s3 =	rddreg [dreg:$0x1];
	s4 =	simm.s32 $0x0  }
0x7: {  	[smem:$0x7FF] =	sst s4  }
0x8: {  	s0 =	rddreg [dreg:$0x2];
	_ =	strace $0x80000047;
	s1 =	stileid.u32  }
0x9: {  	s5 =	smul.u32 $0xA0, s1;
	_ =	sdelay $0x1  }
0xa: {  	s16 =	simm.s32 $0x2;
	s6 =	sadd.s32 s2, s5  }
0xb: {  	[tilespmem:s4], [sflag:$0x2] =	stream.linear.gather [hbm4b:s6+s4], $0x500, $0x38;
	[tilespmem:$0x7420] =	vst v63  }
0xc: {  	_ =	swait.ge [sflag:s16], $0x500  }
0xd: {  	s7 =	sadd.s32 $0xA00, s2;
	[sflag:s16] =	ssyncset.done $0x0  }
0xe: {  	s8 =	simm.s32 $0x500;
	s7 =	sadd.s32 s7, s5;
	[sflag:s16] =	ssyncadd.s32 $0xFFFFFB00  }
0xf: {  	[tilespmem:s8], [sflag:$0x2] =	stream.linear.gather [hbm4b:s7+s4], $0x500, $0x38;
	[tilespmem:$0x7420] =	vst v63  }
0x10: {  	_ =	swait.ge [sflag:s16], $0x500  }
0x11: {  	s17 =	sadd.s32 $0x1400, s2;
	[sflag:s16] =	ssyncset.done $0x0  }
0x12: {  	s18 =	simm.s32 $0xA00;
	s7 =	sadd.s32 s17, s5;
	[sflag:s16] =	ssyncadd.s32 $0xFFFFFB00  }
0x13: {  	[tilespmem:s18], [sflag:$0x2] =	stream.linear.gather [hbm4b:s7+s4], $0x500, $0x38;
	[tilespmem:$0x7420] =	vst v63  }
0x14: {  	_ =	swait.ge [sflag:s16], $0x500  }
0x15: {  	s19 =	sadd.s32 $0x1E00, s2;
	[sflag:s16] =	ssyncset.done $0x0  }
0x16: {  	s20 =	simm.s32 $0xF00;
	s7 =	sadd.s32 s19, s5;
	[sflag:s16] =	ssyncadd.s32 $0xFFFFFB00  }
0x17: {  	[tilespmem:s20], [sflag:$0x2] =	stream.linear.gather [hbm4b:s7+s4], $0x500, $0x38;
	[tilespmem:$0x7420] =	vst v63  }
0x18: {  	_ =	swait.ge [sflag:s16], $0x500  }
0x19: {  	s21 =	sadd.s32 $0x2800, s2;
	[sflag:s16] =	ssyncset.done $0x0  }
0x1a: {  	s22 =	simm.s32 $0x1400;
	s7 =	sadd.s32 s21, s5;
	[sflag:s16] =	ssyncadd.s32 $0xFFFFFB00  }
0x1b: {  	[tilespmem:s22], [sflag:$0x2] =	stream.linear.gather [hbm4b:s7+s4], $0x500, $0x38;
	[tilespmem:$0x7420] =	vst v63  }
0x1c: {  	_ =	swait.ge [sflag:s16], $0x500  }
0x1d: {  	s23 =	sadd.s32 $0x3200, s2;
	[sflag:s16] =	ssyncset.done $0x0  }
0x1e: {  	s24 =	simm.s32 $0x1900;
	s5 =	sadd.s32 s23, s5;
	[sflag:s16] =	ssyncadd.s32 $0xFFFFFB00  }
0x1f: {  	[tilespmem:s24], [sflag:$0x2] =	stream.linear.gather [hbm4b:s5+s4], $0x500, $0x38;
	[tilespmem:$0x7420] =	vst v63  }
0x20: {  	_ =	swait.ge [sflag:s16], $0x500  }
0x21: {  	[sflag:s16] =	ssyncset.done $0x0  }
0x22: {  	s25 =	simm.s32 $0x0;
	[sflag:s16] =	ssyncadd.s32 $0xFFFFFB00  }
0x23: {  	s26 =	simm.s32 $0x10;
	v0 =	vld [tilespmem:s25+$0x1900]  }
0x24: {  	v1 =	vld [tilespmem:s26+$0x1900];
	_ =	sdelay $0x3  }
0x25: {  	(xrf0) =	vadd.scan.msk.s32 $0xffff, v0  }
0x26: {  	(xrf0) =	vadd.scan.msk.s32 $0xffff, v1;
	_ =	sdelay $0x4  }
0x27: {  	s28 =	simm.s32 $0x20;
	v0, _, _ =	vpop (xrf0)  }
0x28: {  	v1 =	vld [tilespmem:s28+$0x1900];
	(v2sf) =	vpush v0, $0xF;
	v2, _, _ =	vpop (xrf0)  }
0x29: {  	(v2sf) =	vpush v2, $0xF;
	_ =	sdelay $0x3  }
0x2a: {  	s31 =	simm.s32 $0x30;
	(xrf0) =	vadd.scan.msk.s32 $0xffff, v1  }
0x2b: {  	v1 =	vld [tilespmem:s31+$0x1900];
	_ =	sdelay $0x2  }
0x2c: {  	s29 =	sshll.u32 s1, $0x4;
	s30 =	sor.u32 $0x800, s1  }
0x2d: {  	s2 =	sadd.s32 $0x3C00, s2;
	s6 =	simm.s32 $0x100;
	s5 =	sadd.s32 s29, s3;
	v0 =	vmov s30  }
.LBB2_2:
0x2e: {  	s7 =	sshra.s32 s6, $0x2;
	p0 =	sne.s32 s6, $0x13C0;
	s6 =	sadd.s32 $0x40, s6;
	(xrf0) =	vadd.scan.msk.s32 $0xffff, v1;
	v2, _, _ =	vpop (xrf0)  }
.Ltmp1:
0x2f: {  	v1 =	vld [tilespmem:s7+$0x1900];
	(v2sf) =	vpush v2, $0xF;
	(pc) =	sbr.rel @p0 .LBB2_2-.Ltmp1, $3  }
0x30: {  	_ =	sdelay $0x1  }
0x31: {  	s7 =	spop (v2sf)  }
0x32: {  	s4 =	sadd.s32 s4, s7  }
0x33: {  	(xrf0) =	vadd.scan.msk.s32 $0xffff, v1;
	_ =	sdelay $0x4  }
0x34: {  	v1, _, _ =	vpop (xrf0)  }
0x35: {  	(v2sf) =	vpush v1, $0xF;
	v1, _, _ =	vpop (xrf0)  }
0x36: {  	(v2sf) =	vpush v1, $0xF;
	_ =	sdelay $0xb  }
0x37: {  	s6 =	spop (v2sf)  }
0x38: {  	s4 =	sadd.s32 s4, s6;
	s19 =	spop (v2sf)  }
0x39: {  	s4 =	sadd.s32 s4, s19;
	s20 =	spop (v2sf)  }
0x3a: {  	s4 =	sadd.s32 s4, s20;
	s21 =	spop (v2sf)  }
0x3b: {  	s4 =	sadd.s32 s4, s21  }
0x3c: {  	v1 =	vmov s4  }
0x3d: {  	s22 =	simm.s32 $0x7300;
	s23 =	simm.s32 $0x2;
	[tilespmem:$0x7300] =	vst v1  }
0x3e: {  	[spmem:s5] =	stream.linear.scatter [tilespmem:s22], [sflag:$0x2], $0x10, $0x38;
	[tilespmem:$0x7420] =	vst v63  }
0x3f: {  	_ =	swait.ge [sflag:s23], $0x10  }
0x40: {  	[sflag:s23] =	ssyncset.done $0x0  }
0x41: {  	[sflag:s23] =	ssyncadd.s32 $0xFFFFFFF0  }
0x42: {  	s24 =	simm.s32 $0x7310;
	[bflag:$0x0] =	sbarrier.arrive $0xFFFF  }
0x43: {  	[tilespmem:s24], [sflag:$0x2] =	stream.linear.gather [spmem:s3], $0x100, $0x38;
	[tilespmem:$0x7420] =	vst v63  }
0x44: {  	_ =	swait.ge [sflag:s23], $0x100  }
0x45: {  	[sflag:s23] =	ssyncset.done $0x0  }
0x46: {  	[sflag:s23] =	ssyncadd.s32 $0xFFFFFF00  }
0x47: {  	v1 =	vld [tilespmem:$0x7310]  }
0x48: {  	v2 =	vld [tilespmem:$0x7320]  }
0x49: {  	v3 =	vld [tilespmem:$0x7330]  }
0x4a: {  	v4 =	vld [tilespmem:$0x7340];
	_ =	sdelay $0x1  }
0x4b: {  	v5 =	vld [tilespmem:$0x7350];
	(v2sf) =	vpush v1, $0x0  }
0x4c: {  	v1 =	vld [tilespmem:$0x7360];
	(v2sf) =	vpush v2, $0x0  }
0x4d: {  	v2 =	vld [tilespmem:$0x7370];
	(v2sf) =	vpush v3, $0x0  }
0x4e: {  	v3 =	vld [tilespmem:$0x7380];
	(v2sf) =	vpush v4, $0x0  }
0x4f: {  	v4 =	vld [tilespmem:$0x7390]  }
0x50: {  	(v2sf) =	vpush v5, $0x0;
	v5 =	vld [tilespmem:$0x73A0]  }
0x51: {  	(v2sf) =	vpush v1, $0x0;
	v1 =	vld [tilespmem:$0x73B0]  }
0x52: {  	(v2sf) =	vpush v2, $0x0;
	v2 =	vld [tilespmem:$0x73C0]  }
0x53: {  	(v2sf) =	vpush v3, $0x0  }
0x54: {  	(v2sf) =	vpush v4, $0x0  }
0x55: {  	(v2sf) =	vpush v5, $0x0  }
0x56: {  	(v2sf) =	vpush v1, $0x0;
	v1 =	vld [tilespmem:$0x73D0]  }
0x57: {  	(v2sf) =	vpush v2, $0x0;
	v2 =	vld [tilespmem:$0x73E0];
	_ =	sdelay $0x1  }
0x58: {  	v3 =	vld [tilespmem:$0x73F0]  }
0x59: {  	s3 =	spop (v2sf)  }
0x5a: {  	p0 =	seq.s32 s1, $0x0;
	p1 =	sgt.u32 s1, $0x1;
	(v2sf) =	vpush v1, $0x0;
	s4 =	spop (v2sf)  }
0x5b: {  	(v2sf) =	vpush v2, $0x0;
	s3 =	simm.s32 @p0 $0x0;
	p0 =	sgt.u32 s1, $0x2;
	s5 =	spop (v2sf)  }
0x5c: {  	s4 =	simm.s32 @!p1 $0x0;
	p1 =	sgt.u32 s1, $0x3;
	s6 =	spop (v2sf)  }
0x5d: {  	(v2sf) =	vpush v3, $0x0;
	s3 =	sadd.s32 s3, s4;
	s5 =	simm.s32 @!p0 $0x0;
	p0 =	sgt.u32 s1, $0x4  }
0x5e: {  	s7 =	spop (v2sf);
	s3 =	sadd.s32 s3, s5;
	s6 =	simm.s32 @!p1 $0x0  }
0x5f: {  	p1 =	sgt.u32 s1, $0x5;
	s8 =	spop (v2sf);
	s7 =	simm.s32 @!p0 $0x0  }
0x60: {  	p0 =	sgt.u32 s1, $0xA;
	s3 =	sadd.s32 s3, s6;
	s9 =	spop (v2sf)  }
0x61: {  	s8 =	simm.s32 @!p1 $0x0;
	p1 =	sgt.u32 s1, $0x6;
	s3 =	sadd.s32 s3, s7  }
0x62: {  	s10 =	spop (v2sf);
	s9 =	simm.s32 @!p1 $0x0;
	p1 =	sgt.u32 s1, $0x7  }
0x63: {  	s3 =	sadd.s32 s3, s8;
	s11 =	spop (v2sf);
	s10 =	simm.s32 @!p1 $0x0  }
0x64: {  	p1 =	sgt.u32 s1, $0x8;
	s25 =	sadd.s32 s3, s9;
	s3 =	simm.s32 $0x1900  }
0x65: {  	s12 =	spop (v2sf);
	s11 =	simm.s32 @!p1 $0x0;
	p1 =	sgt.u32 s1, $0x9  }
0x66: {  	s6 =	sadd.s32 s25, s10;
	s4 =	spop (v2sf);
	s12 =	simm.s32 @!p1 $0x0  }
0x67: {  	v4 =	vld [tilespmem:s3+$0x0];
	p1 =	sgt.u32 s1, $0xC;
	s6 =	sadd.s32 s6, s11;
	s5 =	spop (v2sf)  }
0x68: {  	s4 =	simm.s32 @!p0 $0x0;
	p0 =	sgt.u32 s1, $0xB;
	s6 =	sadd.s32 s6, s12  }
0x69: {  	s5 =	simm.s32 @!p0 $0x0;
	s4 =	sadd.s32 s6, s4;
	s7 =	spop (v2sf)  }
0x6a: {  	p0 =	sgt.u32 s1, $0xD;
	s4 =	sadd.s32 s4, s5;
	s6 =	spop (v2sf)  }
0x6b: {  	v1 =	vlaneseq.u32;
	s7 =	simm.s32 @!p1 $0x0;
	s6 =	simm.s32 @!p0 $0x0;
	p0 =	seq.s32 s1, $0xF  }
0x6c: {  	v2 =	vshrl.u32 v1, $0x3;
	(xrf0) =	vadd.scan.msk.s32 $0xffff, v4;
	s5 =	sadd.s32 s4, s7;
	s7 =	spop (v2sf);
	s4 =	simm.s32 $0x0  }
0x6d: {  	v2 =	vmul.u32 $0x8, v2;
	s7 =	simm.s32 @!p0 $0x0;
	s5 =	sadd.s32 s5, s6;
	v3 =	vmov s4  }
0x6e: {  	s26 =	sadd.s32 s5, s7;
	v5 =	vand.u32 $0x7F8, v3  }
0x6f: {  	v3 =	vand.u32 $0x7, v1;
	v6 =	vmov s26;
	v5 =	vor.u32 v2, v5  }
0x70: {  	v6 =	vadd.s32 $0xFFFFFFFF, v6;
	v5 =	vor.u32 v3, v5  }
0x71: {  	v6 =	vbroadcast v6, $0x0  }
0x72: {  	v7, _, _ =	vpop (xrf0)  }
0x73: {  	vm0 =	vgt.s32 v4, $0x0;
	v4 =	vadd.s32 v7, v6  }
0x74: {  	s5 =	simm.s32 $0x6E00;
	v6 =	vxor.u32 $0x80000000, v7;
	v4 =	vsel vm0, v4, v0  }
0x75: {  	(xrf0) =	vmax.scan.msk.u32 $0xffff, v6;
	v6 =	vor.u32 s4, v1;
	[tilespmem:v5+s5+$0x0] =	vst.idx.msk $0xffff, v4  }
0x76: {  	v5 =	vshll.u32 v6, $0x4;
	v4 =	vld [tilespmem:s4+$0x0];
	_ =	sdelay $0x3  }
0x77: {  	s6 =	simm.s32 $0x1E00  }
0x78: {  	s7 =	simm.s32 $0x500;
	v6, _, _ =	vpop (xrf0);
	[tilespmem:v5+s6+$0x0] =	vst.idx.msk $0xffff, v4  }
0x79: {  	(v2sf) =	vpush v6, $0xF;
	v6 =	vor.u32 $0x1, v5;
	v4 =	vld [tilespmem:s7+$0x0];
	_ =	sdelay $0x4  }
0x7a: {  	s28 =	simm.s32 $0xA00;
	[tilespmem:v6+s6+$0x0] =	vst.idx.msk $0xffff, v4  }
0x7b: {  	v6 =	vor.u32 $0x2, v5;
	v4 =	vld [tilespmem:s28+$0x0];
	_ =	sdelay $0x4  }
0x7c: {  	s29 =	simm.s32 $0xF00;
	[tilespmem:v6+s6+$0x0] =	vst.idx.msk $0xffff, v4  }
0x7d: {  	v6 =	vor.u32 $0x3, v5;
	v4 =	vld [tilespmem:s29+$0x0];
	_ =	sdelay $0x4  }
0x7e: {  	s31 =	simm.s32 $0x1400;
	[tilespmem:v6+s6+$0x0] =	vst.idx.msk $0xffff, v4  }
0x7f: {  	v5 =	vor.u32 $0x4, v5;
	v4 =	vld [tilespmem:s31+$0x0];
	_ =	sdelay $0x1  }
0x80: {  	s30 =	spop (v2sf)  }
0x81: {  	s8 =	simm.s32 $0x10;
	s10 =	simm.s32 $0xA10;
	s9 =	sadd.s32 s30, s26  }
0x82: {  	s11 =	simm.s32 $0xF10;
	s12 =	simm.s32 $0x1410;
	s9 =	sadd.s32 $0x80000000, s9  }
.LBB2_4:
0x83: {  	[tilespmem:v5+s6+$0x0] =	vst.idx.msk $0xffff, v4;
	s3 =	sadd.s32 $0x10, s3;
	s4 =	sadd.s32 $0x10, s4;
	s7 =	sadd.s32 $0x10, s7  }
0x84: {  	p0 =	sne.s32 s8, $0x4F0;
	s13 =	smov.u32 s8;
	s8 =	sadd.s32 $0x10, s8;
	v4 =	vld [tilespmem:s3+$0x0]  }
0x85: {  	_ =	sdelay $0x3  }
0x86: {  	(xrf0) =	vadd.scan.msk.s32 $0xffff, v4  }
0x87: {  	v5 =	vmov s13  }
0x88: {  	v5 =	vand.u32 $0x7F8, v5  }
0x89: {  	v6 =	vmov s9;
	v5 =	vor.u32 v2, v5  }
0x8a: {  	v6 =	vadd.s32 $0xFFFFFFFF, v6;
	v5 =	vor.u32 v3, v5  }
0x8b: {  	v6 =	vbroadcast v6, $0x0  }
0x8c: {  	v7, _, _ =	vpop (xrf0)  }
0x8d: {  	vm0 =	vgt.s32 v4, $0x0;
	v4 =	vadd.s32 v7, v6;
	v6 =	vxor.u32 $0x80000000, v7  }
0x8e: {  	v4 =	vsel vm0, v4, v0;
	(xrf0) =	vmax.scan.msk.u32 $0xffff, v6  }
0x8f: {  	v6 =	vor.u32 s13, v1;
	[tilespmem:v5+s5+$0x0] =	vst.idx.msk $0xffff, v4  }
0x90: {  	v5 =	vshll.u32 v6, $0x4;
	v4 =	vld [tilespmem:s4+$0x0];
	_ =	sdelay $0x3  }
0x91: {  	v6, _, _ =	vpop (xrf0)  }
0x92: {  	[tilespmem:v5+s6+$0x0] =	vst.idx.msk $0xffff, v4;
	(v2sf) =	vpush v6, $0xF  }
0x93: {  	v6 =	vor.u32 $0x1, v5;
	v4 =	vld [tilespmem:s7+$0x0];
	_ =	sdelay $0x4  }
0x94: {  	[tilespmem:v6+s6+$0x0] =	vst.idx.msk $0xffff, v4  }
0x95: {  	v6 =	vor.u32 $0x2, v5;
	v4 =	vld [tilespmem:s10+$0x0];
	_ =	sdelay $0x4  }
0x96: {  	[tilespmem:v6+s6+$0x0] =	vst.idx.msk $0xffff, v4  }
0x97: {  	v6 =	vor.u32 $0x3, v5;
	v4 =	vld [tilespmem:s11+$0x0];
	_ =	sdelay $0x1  }
0x98: {  	s13 =	spop (v2sf)  }
0x99: {  	s9 =	sadd.s32 s13, s9  }
0x9a: {  	s9 =	sadd.s32 $0x80000000, s9  }
0x9b: {  	[tilespmem:v6+s6+$0x0] =	vst.idx.msk $0xffff, v4  }
.Ltmp2:
0x9c: {  	v5 =	vor.u32 $0x4, v5;
	v4 =	vld [tilespmem:s12+$0x0];
	(pc) =	sbr.rel @p0 .LBB2_4-.Ltmp2, $2  }
0x9d: {  	_ =	sdelay $0x2  }
0x9e: {  	s10 =	sadd.s32 $0x10, s10;
	s11 =	sadd.s32 $0x10, s11;
	s12 =	sadd.s32 $0x10, s12  }
0x9f: {  	_ =	sdelay $0x2  }
0xa0: {  	s3 =	simm.s32 $0x80  }
0xa1: {  	[tilespmem:v5+s6+$0x0] =	vst.idx.msk $0xffff, v4;
	s4 =	simm.s32 $0x6E00;
	s5 =	simm.s32 $0x1E00;
	s12 =	simm.s32 $0x1  }
0xa2: {  	[hbm4b:s2+s3] =	stream.indirect.scatter [tilespmem:s5], [sflag:$0x1], $0x10, s4, s3, $0xb8;
	[tilespmem:$0x7420] =	vst v63  }
0xa3: {  	_ =	swait.ge [sflag:s12], $0x800  }
0xa4: {  	[sflag:s12] =	ssyncset.done $0x0  }
0xa5: {  	s13 =	simm.s32 $0x6E80;
	s14 =	simm.s32 $0x2600;
	[sflag:s12] =	ssyncadd.s32 $0xFFFFF800  }
0xa6: {  	[hbm4b:s2+s3] =	stream.indirect.scatter [tilespmem:s14], [sflag:$0x1], $0x10, s13, s3, $0xb8;
	[tilespmem:$0x7420] =	vst v63  }
0xa7: {  	_ =	swait.ge [sflag:s12], $0x800  }
0xa8: {  	[sflag:s12] =	ssyncset.done $0x0  }
0xa9: {  	s15 =	simm.s32 $0x6F00;
	s16 =	simm.s32 $0x2E00;
	[sflag:s12] =	ssyncadd.s32 $0xFFFFF800  }
0xaa: {  	[hbm4b:s2+s3] =	stream.indirect.scatter [tilespmem:s16], [sflag:$0x1], $0x10, s15, s3, $0xb8;
	[tilespmem:$0x7420] =	vst v63  }
0xab: {  	_ =	swait.ge [sflag:s12], $0x800  }
0xac: {  	[sflag:s12] =	ssyncset.done $0x0  }
0xad: {  	s17 =	simm.s32 $0x6F80;
	s18 =	simm.s32 $0x3600;
	[sflag:s12] =	ssyncadd.s32 $0xFFFFF800  }
0xae: {  	[hbm4b:s2+s3] =	stream.indirect.scatter [tilespmem:s18], [sflag:$0x1], $0x10, s17, s3, $0xb8;
	[tilespmem:$0x7420] =	vst v63  }
0xaf: {  	_ =	swait.ge [sflag:s12], $0x800  }
0xb0: {  	[sflag:s12] =	ssyncset.done $0x0  }
0xb1: {  	s19 =	simm.s32 $0x7000;
	s20 =	simm.s32 $0x3E00;
	[sflag:s12] =	ssyncadd.s32 $0xFFFFF800  }
0xb2: {  	[hbm4b:s2+s3] =	stream.indirect.scatter [tilespmem:s20], [sflag:$0x1], $0x10, s19, s3, $0xb8;
	[tilespmem:$0x7420] =	vst v63  }
0xb3: {  	_ =	swait.ge [sflag:s12], $0x800  }
0xb4: {  	[sflag:s12] =	ssyncset.done $0x0  }
0xb5: {  	s21 =	simm.s32 $0x7080;
	s22 =	simm.s32 $0x4600;
	[sflag:s12] =	ssyncadd.s32 $0xFFFFF800  }
0xb6: {  	[hbm4b:s2+s3] =	stream.indirect.scatter [tilespmem:s22], [sflag:$0x1], $0x10, s21, s3, $0xb8;
	[tilespmem:$0x7420] =	vst v63  }
0xb7: {  	_ =	swait.ge [sflag:s12], $0x800  }
0xb8: {  	[sflag:s12] =	ssyncset.done $0x0  }
0xb9: {  	s23 =	simm.s32 $0x7100;
	s24 =	simm.s32 $0x4E00;
	[sflag:s12] =	ssyncadd.s32 $0xFFFFF800  }
0xba: {  	[hbm4b:s2+s3] =	stream.indirect.scatter [tilespmem:s24], [sflag:$0x1], $0x10, s23, s3, $0xb8;
	[tilespmem:$0x7420] =	vst v63  }
0xbb: {  	_ =	swait.ge [sflag:s12], $0x800  }
0xbc: {  	[sflag:s12] =	ssyncset.done $0x0  }
0xbd: {  	s25 =	simm.s32 $0x7180;
	s26 =	simm.s32 $0x5600;
	[sflag:s12] =	ssyncadd.s32 $0xFFFFF800  }
0xbe: {  	[hbm4b:s2+s3] =	stream.indirect.scatter [tilespmem:s26], [sflag:$0x1], $0x10, s25, s3, $0xb8;
	[tilespmem:$0x7420] =	vst v63  }
0xbf: {  	_ =	swait.ge [sflag:s12], $0x800  }
0xc0: {  	[sflag:s12] =	ssyncset.done $0x0  }
0xc1: {  	s28 =	simm.s32 $0x7200;
	s29 =	simm.s32 $0x5E00;
	[sflag:s12] =	ssyncadd.s32 $0xFFFFF800  }
0xc2: {  	[hbm4b:s2+s3] =	stream.indirect.scatter [tilespmem:s29], [sflag:$0x1], $0x10, s28, s3, $0xb8;
	[tilespmem:$0x7420] =	vst v63  }
0xc3: {  	_ =	swait.ge [sflag:s12], $0x800  }
0xc4: {  	[sflag:s12] =	ssyncset.done $0x0  }
0xc5: {  	s30 =	simm.s32 $0x7280;
	s31 =	simm.s32 $0x6600;
	[sflag:s12] =	ssyncadd.s32 $0xFFFFF800  }
0xc6: {  	[hbm4b:s2+s3] =	stream.indirect.scatter [tilespmem:s31], [sflag:$0x1], $0x10, s30, s3, $0xb8;
	[tilespmem:$0x7420] =	vst v63  }
0xc7: {  	_ =	swait.ge [sflag:s12], $0x800  }
0xc8: {  	[sflag:s12] =	ssyncset.done $0x0  }
0xc9: {  	[sflag:s12] =	ssyncadd.s32 $0xFFFFF800  }
.LBB2_6:
0xca: {  	_ =	sfence.sel $0x180000  }
0xcb: {  	[bflag:$0x0] =	sbarrier.arrive $0xFFFF  }
0xcc: {  	p0 =	sne.s32 s1, $0x0;
	_ =	strace $0x90000047  }
0xcd: {  	s0 =	sadd.s32 @!p0 $0x100000, s0;
	[bflag:$0x2] =	sbarrier.arrive $0xFFFF  }
0xce: {  	[sflag:s0] =	ssyncadd.tile.s32 @!p0 $0x1;
	_ =	shalt  }
.Lfunc_end2:
_tile_overlayer_lowered:
.L_overlay_start_2:
0xcf: {  	(tag) =	ssettag $0x2  }
0xd0: {  	s0 =	rddreg [dreg:$0x0];
	s2 =	stileid.u32  }
0xd1: {  	s1 =	rddreg [dreg:$0x1];
	p0 =	sne.s32 s2, $0x0  }
0xd2: {  	s3 =	rddreg [dreg:$0x2];
	[bflag:$0x3] =	sbarrier.arrive $0xFFFF;
	s2 =	simm.s32 @!p0 $0x1C02  }
0xd3: {  	[timem:s3], [sflag:s2] =	dma.local @!p0 [hbm:s0], s1  }
0xd4: {  	s0 =	simm.s32 @!p0 $0x2  }
0xd5: {  	_ =	swait.ge @!p0 [sflag:s0], s1  }
0xd6: {  	s1 =	ssub.s32 @!p0 $0x0, s1;
	[sflag:s0] =	ssyncset.done @!p0 $0x0  }
0xd7: {  	[sflag:s0] =	ssyncadd.s32 @!p0 s1  }
0xd8: {  	[bflag:$0x3] =	sbarrier.arrive $0xFFFF  }
0xd9: {  	_ =	shalt  }

</sc_bundles>
